<compile_context>
chip_gen: v7x
topology: tpu7x:2x2x1
jax: 0.10.2.dev20260603
libtpu: 0.0.44.dev20260713+nightly
codegen_flags: <defaults>
</compile_context>

<pallas_src>
import functools

import jax
import jax.numpy as jnp
from jax import lax
from jax.experimental import pallas as pl
from jax.experimental.pallas import tpu as pltpu
from jax.experimental.pallas import tpu_sc as plsc

B = 16384
C = 100
CP = 128
N = 1_000_000
BETA = 0.7
LAM = 3.0

NC, NS, L = 2, 16, 16
NW = NC * NS
BPW = B // NW
CHUNK = 512
NCH = BPW // CHUNK

RG = 4
BM = B // RG


def _dense_body(x_ref, lab_ref, y_ref, pn_ref, ce_ref):
    i = pl.program_id(0)
    x = x_ref[...]
    e = jnp.exp(x)
    s = jnp.sum(e, axis=1, keepdims=True)
    y = jnp.clip(e / s, 0.0001, 1.0 - 0.0001)
    r = jnp.sum(y, axis=1, keepdims=True)
    y_ref[...] = y.astype(jnp.bfloat16)
    pad = jnp.zeros((BM, CP - C), jnp.float32)
    pn_ref[...] = jnp.concatenate([y / r, pad], axis=1)
    col = lax.broadcasted_iota(jnp.int32, (BM, C), 1)
    xl = jnp.sum(jnp.where(col == lab_ref[...], x, 0.0), axis=1)
    ce_rows = jnp.log(s[:, 0]) - xl

    @pl.when(i == 0)
    def _():
        ce_ref[0, 0] = 0.0

    ce_ref[0, 0] += jnp.sum(ce_rows)


_dense = pl.pallas_call(
    _dense_body,
    grid=(RG,),
    in_specs=[
        pl.BlockSpec((BM, C), lambda i: (i, 0)),
        pl.BlockSpec((BM, 1), lambda i: (i, 0)),
    ],
    out_specs=[
        pl.BlockSpec((BM, C), lambda i: (i, 0)),
        pl.BlockSpec((BM, CP), lambda i: (i, 0)),
        pl.BlockSpec((1, 1), lambda i: (0, 0), memory_space=pltpu.SMEM),
    ],
    out_shape=[
        jax.ShapeDtypeStruct((B, C), jnp.bfloat16),
        jax.ShapeDtypeStruct((B, CP), jnp.float32),
        jax.ShapeDtypeStruct((1, 1), jnp.float32),
    ],
)


def _sc_resolve_body(idx_hbm, pn_hbm, pnw_hbm, idx_v, jv, wv,
                     rows_v, win_sp, sem):
    wid = lax.axis_index("s") * NC + lax.axis_index("c")
    base = wid * BPW
    pltpu.sync_copy(idx_hbm.at[pl.ds(wid * NCH, NCH)], idx_v)
    for ch in range(NCH):
        for k in range(CHUNK // L):
            jv[ch, pl.ds(k * L, L)] = (
                base + ch * CHUNK + k * L + lax.iota(jnp.int32, L))
    pend = [pltpu.async_copy(jv.at[ch], win_sp.at[idx_v.at[ch]], sem)
            for ch in range(NCH)]
    for p in pend:
        p.wait()
    plsc.subcore_barrier()
    pend = [pltpu.async_copy(win_sp.at[idx_v.at[ch]], wv.at[ch], sem)
            for ch in range(NCH)]
    for p in pend:
        p.wait()
    for ch in range(NCH):
        for k in range(CHUNK // L):
            w = wv[ch, pl.ds(k * L, L)]
            wv[ch, pl.ds(k * L, L)] = jnp.minimum(jnp.maximum(w, 0), B - 1)
    pend = [pltpu.async_copy(pn_hbm.at[wv.at[ch]], rows_v.at[ch], sem)
            for ch in range(NCH)]
    wr = []
    for ch in range(NCH):
        pend[ch].wait()
        wr.append(pltpu.async_copy(
            rows_v.at[ch], pnw_hbm.at[pl.ds(base + ch * CHUNK, CHUNK)], sem))
    for p in wr:
        p.wait()


@functools.cache
def _sc_resolve():
    return pl.kernel(
        _sc_resolve_body,
        out_type=jax.ShapeDtypeStruct((B, CP), jnp.float32),
        mesh=plsc.VectorSubcoreMesh(
            core_axis_name="c", subcore_axis_name="s",
            num_cores=NC, num_subcores=NS),
        scratch_types=(
            pltpu.VMEM((NCH, CHUNK), jnp.int32),
            pltpu.VMEM((NCH, CHUNK), jnp.int32),
            pltpu.VMEM((NCH, CHUNK), jnp.int32),
            pltpu.VMEM((NCH, CHUNK, CP), jnp.float32),
            pltpu.VMEM_SHARED((N,), jnp.int32),
            pltpu.SemaphoreType.DMA,
        ),
    )


def _loss_body(y_ref, v_ref, ce_ref, o_ref):
    i = pl.program_id(0)
    y = y_ref[...].astype(jnp.float32)
    v = v_ref[..., :C].astype(jnp.float32)
    srow = (1.0 - BETA) * jnp.sum(y * v, axis=1)

    @pl.when(i == 0)
    def _():
        o_ref[0, 0] = ce_ref[0, 0] / B

    o_ref[0, 0] += (LAM / B) * jnp.sum(jnp.log(1.0 - srow))


_loss = pl.pallas_call(
    _loss_body,
    grid=(RG,),
    in_specs=[
        pl.BlockSpec((BM, C), lambda i: (i, 0)),
        pl.BlockSpec((BM, CP), lambda i: (i, 0)),
        pl.BlockSpec((1, 1), lambda i: (0, 0), memory_space=pltpu.SMEM),
    ],
    out_specs=pl.BlockSpec((1, 1), lambda i: (0, 0), memory_space=pltpu.SMEM),
    out_shape=jax.ShapeDtypeStruct((1, 1), jnp.float32),
)


def kernel(output, label, index, epoch, target):
    del epoch, target
    y, pn, ce = _dense(output, label.reshape(B, 1).astype(jnp.int32))
    idx2 = index.reshape(B // CHUNK, CHUNK).astype(jnp.int32)
    pnw = _sc_resolve()(idx2, pn)
    loss = _loss(y, pnw, ce)
    return loss[0, 0]

# --- scband reference (transcript-rebuilt; emitter-appended) ---
"""Pipeline reference for scband-elr-16939351016092 (READ-ONLY COPY).

The authoritative reference and input builder live on the scoring server;
editing this copy changes nothing except your own understanding.
"""

import jax, jax.numpy as jnp
import numpy as np

NUM_EXAMP = 1000000
NUM_CLASSES = 100
BETA = 0.7
LAMBDA = 3.0
BATCH = 16384


def setup_inputs(seed: int = 0) -> dict:
    key = jax.random.key(seed)
    k0, k1, k2 = jax.random.split(key, 3)
    output = jax.random.normal(k0, (BATCH, NUM_CLASSES), dtype=jnp.float32)
    label = jax.random.randint(k1, (BATCH,), 0, NUM_CLASSES)
    index = jax.random.randint(k2, (BATCH,), 0, NUM_EXAMP)
    # persistent per-example target buffer (module state), initialized to zeros
    target = jnp.zeros((NUM_EXAMP, NUM_CLASSES), dtype=jnp.float32)
    epoch = 1
    return {"output": output, "label": label, "index": index, "epoch": epoch, "target": target}


def reference(output, label, index, epoch, target):
    # y_pred = softmax(output), clamped
    y_pred = jax.nn.softmax(output, axis=1)
    y_pred = jnp.clip(y_pred, 0.0001, 1.0 - 0.0001)
    # detached copy for the EMA target update
    y_pred_ = jax.lax.stop_gradient(y_pred)
    # EMA scatter update: target[index] = beta*target[index] + (1-beta)*normalized pred
    gathered = jnp.take(target, index, axis=0)
    new_vals = BETA * gathered + (1.0 - BETA) * (y_pred_ / y_pred_.sum(axis=1, keepdims=True))
    target_new = target.at[index].set(new_vals)
    # cross entropy on raw logits (matches F.cross_entropy)
    logp = jax.nn.log_softmax(output, axis=1)
    ce_loss = -jnp.take_along_axis(logp, label[:, None], axis=1).squeeze(1).mean()
    # ELR regularizer using updated target rows
    t_rows = jnp.take(target_new, index, axis=0)
    elr_reg = jnp.log(1.0 - (t_rows * y_pred).sum(axis=1)).mean()
    final_loss = ce_loss + LAMBDA * elr_reg
    return final_loss

if __name__ == "__main__":
    import jax
    _d = setup_inputs()
    print(jax.jit(kernel)(*tuple(_d.values())))

</pallas_src>

<mosaic_0001>
#map = affine_map<(d0, d1) -> (0, 0)>
module attributes {stable_mosaic.version = 14 : i64} {
  func.func @_sc_resolve_body(%arg0: i32, %arg1: i32, %arg2: memref<32x512xi32, #tpu.memory_space<hbm>>, %arg3: memref<16384x128xf32, #tpu.memory_space<hbm>>, %arg4: memref<16384x128xf32, #tpu.memory_space<hbm>>, %arg5: memref<1x512xi32, #tpu.memory_space<vmem>>, %arg6: memref<1x512xi32, #tpu.memory_space<vmem>>, %arg7: memref<1x512xi32, #tpu.memory_space<vmem>>, %arg8: memref<1x512x128xf32, #tpu.memory_space<vmem>>, %arg9: memref<1000000xi32, #tpu.memory_space<vmem_shared>>, %arg10: memref<!tpu.dma_semaphore, #tpu.memory_space<semaphore_mem>>) attributes {dimension_semantics = [#tpu.dimension_semantics<core_parallel>, #tpu.dimension_semantics<subcore_parallel>], iteration_bounds = array<i64: 2, 16>, scalar_prefetch = 0 : i64, scratch_operands = 6 : i64, tpu.core_type = #tpu.core_type<sc_vector_subcore>, window_params = [{transform_indices = #map}, {transform_indices = #map}, {transform_indices = #map}]} {
    %mul3A = arith.constant 2 : i32
    %mul3A_0 = arith.muli %arg1, %mul3A : i32
    %add3A = arith.addi %mul3A_0, %arg0 : i32
    %mul3A_1 = arith.constant 512 : i32
    %mul3A_2 = arith.muli %add3A, %mul3A_1 : i32
    %mul3A_3 = arith.constant 1 : i32
    %mul3A_4 = arith.muli %add3A, %mul3A_3 : i32
    "tpu.region"() ({
      %run_scoped3A = tpu.sem_alloc : memref<!tpu.dma_semaphore, #tpu.memory_space<semaphore_mem>>
      %dma_start3A_1050 = arith.constant 0 : i32
      %dma_start3A_1051 = tpu.memref_slice %arg2[%mul3A_4, %dma_start3A_1050] : memref<32x512xi32, #tpu.memory_space<hbm>> -> memref<1x512xi32, #tpu.memory_space<hbm>>
      %dma_start3A_1052 = arith.constant 0 : i32
      %dma_start3A_1053 = tpu.memref_slice %arg2[%mul3A_4, %dma_start3A_1052] : memref<32x512xi32, #tpu.memory_space<hbm>> -> memref<1x512xi32, #tpu.memory_space<hbm>>
      tpu.enqueue_dma source(%dma_start3A_1053 : memref<1x512xi32, #tpu.memory_space<hbm>>) target(%arg5 : memref<1x512xi32, #tpu.memory_space<vmem>>) target_semaphore(%run_scoped3A : memref<!tpu.dma_semaphore, #tpu.memory_space<semaphore_mem>>)
      %dma_wait3A_1054 = arith.constant 0 : i32
      %dma_wait3A_1055 = tpu.memref_slice %arg2[%mul3A_4, %dma_wait3A_1054] : memref<32x512xi32, #tpu.memory_space<hbm>> -> memref<1x512xi32, #tpu.memory_space<hbm>>
      %dma_wait3A_1056 = arith.constant 0 : i32
      %dma_wait3A_1057 = tpu.memref_slice %arg2[%mul3A_4, %dma_wait3A_1056] : memref<32x512xi32, #tpu.memory_space<hbm>> -> memref<1x512xi32, #tpu.memory_space<hbm>>
      tpu.wait_dma2 semaphore(%run_scoped3A : memref<!tpu.dma_semaphore, #tpu.memory_space<semaphore_mem>>) src(%dma_wait3A_1057 : memref<1x512xi32, #tpu.memory_space<hbm>>) dst(%arg5 : memref<1x512xi32, #tpu.memory_space<vmem>>)
      tpu.yield
    }) : () -> ()
    %add3A_5 = arith.constant 0 : i32
    %add3A_6 = arith.addi %mul3A_2, %add3A_5 : i32
    %add3A_7 = arith.constant 0 : i32
    %add3A_8 = arith.addi %add3A_6, %add3A_7 : i32
    %iota3A = tpu.iota {dimensions = array<i32: 0>} : vector<16xi32>
    %add3A_9 = vector.broadcast %add3A_8 : i32 to vector<16xi32>
    %add3A_10 = arith.addi %add3A_9, %iota3A : vector<16xi32>
    %swap3A = arith.constant 0 : i32
    %swap3A_11 = arith.index_cast %swap3A : i32 to index
    %swap3A_12 = arith.constant 0 : index
    %swap3A_13 = tpu.vector_load %arg6[%swap3A_11, %swap3A_12] {strides = array<i32>} : memref<1x512xi32, #tpu.memory_space<vmem>>, vector<1x16xi32>,
    %swap3A_14 = vector.shape_cast %swap3A_13 : vector<1x16xi32> to vector<16xi32>
    %swap3A_15 = vector.shape_cast %add3A_10 : vector<16xi32> to vector<1x16xi32>
    tpu.vector_store %arg6[%swap3A_11, %swap3A_12], %swap3A_15 {strides = array<i32>} : memref<1x512xi32, #tpu.memory_space<vmem>>, vector<1x16xi32>,
    %add3A_16 = arith.constant 0 : i32
    %add3A_17 = arith.addi %mul3A_2, %add3A_16 : i32
    %add3A_18 = arith.constant 16 : i32
    %add3A_19 = arith.addi %add3A_17, %add3A_18 : i32
    %iota3A_20 = tpu.iota {dimensions = array<i32: 0>} : vector<16xi32>
    %add3A_21 = vector.broadcast %add3A_19 : i32 to vector<16xi32>
    %add3A_22 = arith.addi %add3A_21, %iota3A_20 : vector<16xi32>
    %swap3A_23 = arith.constant 0 : i32
    %swap3A_24 = arith.index_cast %swap3A_23 : i32 to index
    %swap3A_25 = arith.constant 16 : index
    %swap3A_26 = tpu.vector_load %arg6[%swap3A_24, %swap3A_25] {strides = array<i32>} : memref<1x512xi32, #tpu.memory_space<vmem>>, vector<1x16xi32>,
    %swap3A_27 = vector.shape_cast %swap3A_26 : vector<1x16xi32> to vector<16xi32>
    %swap3A_28 = vector.shape_cast %add3A_22 : vector<16xi32> to vector<1x16xi32>
    tpu.vector_store %arg6[%swap3A_24, %swap3A_25], %swap3A_28 {strides = array<i32>} : memref<1x512xi32, #tpu.memory_space<vmem>>, vector<1x16xi32>,
    %add3A_29 = arith.constant 0 : i32
    %add3A_30 = arith.addi %mul3A_2, %add3A_29 : i32
    %add3A_31 = arith.constant 32 : i32
    %add3A_32 = arith.addi %add3A_30, %add3A_31 : i32
    %iota3A_33 = tpu.iota {dimensions = array<i32: 0>} : vector<16xi32>
    %add3A_34 = vector.broadcast %add3A_32 : i32 to vector<16xi32>
    %add3A_35 = arith.addi %add3A_34, %iota3A_33 : vector<16xi32>
    %swap3A_36 = arith.constant 0 : i32
    %swap3A_37 = arith.index_cast %swap3A_36 : i32 to index
    %swap3A_38 = arith.constant 32 : index
    %swap3A_39 = tpu.vector_load %arg6[%swap3A_37, %swap3A_38] {strides = array<i32>} : memref<1x512xi32, #tpu.memory_space<vmem>>, vector<1x16xi32>,
    %swap3A_40 = vector.shape_cast %swap3A_39 : vector<1x16xi32> to vector<16xi32>
    %swap3A_41 = vector.shape_cast %add3A_35 : vector<16xi32> to vector<1x16xi32>
    tpu.vector_store %arg6[%swap3A_37, %swap3A_38], %swap3A_41 {strides = array<i32>} : memref<1x512xi32, #tpu.memory_space<vmem>>, vector<1x16xi32>,
    %add3A_42 = arith.constant 0 : i32
    %add3A_43 = arith.addi %mul3A_2, %add3A_42 : i32
    %add3A_44 = arith.constant 48 : i32
    %add3A_45 = arith.addi %add3A_43, %add3A_44 : i32
    %iota3A_46 = tpu.iota {dimensions = array<i32: 0>} : vector<16xi32>
    %add3A_47 = vector.broadcast %add3A_45 : i32 to vector<16xi32>
    %add3A_48 = arith.addi %add3A_47, %iota3A_46 : vector<16xi32>
    %swap3A_49 = arith.constant 0 : i32
    %swap3A_50 = arith.index_cast %swap3A_49 : i32 to index
    %swap3A_51 = arith.constant 48 : index
    %swap3A_52 = tpu.vector_load %arg6[%swap3A_50, %swap3A_51] {strides = array<i32>} : memref<1x512xi32, #tpu.memory_space<vmem>>, vector<1x16xi32>,
    %swap3A_53 = vector.shape_cast %swap3A_52 : vector<1x16xi32> to vector<16xi32>
    %swap3A_54 = vector.shape_cast %add3A_48 : vector<16xi32> to vector<1x16xi32>
    tpu.vector_store %arg6[%swap3A_50, %swap3A_51], %swap3A_54 {strides = array<i32>} : memref<1x512xi32, #tpu.memory_space<vmem>>, vector<1x16xi32>,
    %add3A_55 = arith.constant 0 : i32
    %add3A_56 = arith.addi %mul3A_2, %add3A_55 : i32
    %add3A_57 = arith.constant 64 : i32
    %add3A_58 = arith.addi %add3A_56, %add3A_57 : i32
    %iota3A_59 = tpu.iota {dimensions = array<i32: 0>} : vector<16xi32>
    %add3A_60 = vector.broadcast %add3A_58 : i32 to vector<16xi32>
    %add3A_61 = arith.addi %add3A_60, %iota3A_59 : vector<16xi32>
    %swap3A_62 = arith.constant 0 : i32
    %swap3A_63 = arith.index_cast %swap3A_62 : i32 to index
    %swap3A_64 = arith.constant 64 : index
    %swap3A_65 = tpu.vector_load %arg6[%swap3A_63, %swap3A_64] {strides = array<i32>} : memref<1x512xi32, #tpu.memory_space<vmem>>, vector<1x16xi32>,
    %swap3A_66 = vector.shape_cast %swap3A_65 : vector<1x16xi32> to vector<16xi32>
    %swap3A_67 = vector.shape_cast %add3A_61 : vector<16xi32> to vector<1x16xi32>
    tpu.vector_store %arg6[%swap3A_63, %swap3A_64], %swap3A_67 {strides = array<i32>} : memref<1x512xi32, #tpu.memory_space<vmem>>, vector<1x16xi32>,
    %add3A_68 = arith.constant 0 : i32
    %add3A_69 = arith.addi %mul3A_2, %add3A_68 : i32
    %add3A_70 = arith.constant 80 : i32
    %add3A_71 = arith.addi %add3A_69, %add3A_70 : i32
    %iota3A_72 = tpu.iota {dimensions = array<i32: 0>} : vector<16xi32>
    %add3A_73 = vector.broadcast %add3A_71 : i32 to vector<16xi32>
    %add3A_74 = arith.addi %add3A_73, %iota3A_72 : vector<16xi32>
    %swap3A_75 = arith.constant 0 : i32
    %swap3A_76 = arith.index_cast %swap3A_75 : i32 to index
    %swap3A_77 = arith.constant 80 : index
    %swap3A_78 = tpu.vector_load %arg6[%swap3A_76, %swap3A_77] {strides = array<i32>} : memref<1x512xi32, #tpu.memory_space<vmem>>, vector<1x16xi32>,
    %swap3A_79 = vector.shape_cast %swap3A_78 : vector<1x16xi32> to vector<16xi32>
    %swap3A_80 = vector.shape_cast %add3A_74 : vector<16xi32> to vector<1x16xi32>
    tpu.vector_store %arg6[%swap3A_76, %swap3A_77], %swap3A_80 {strides = array<i32>} : memref<1x512xi32, #tpu.memory_space<vmem>>, vector<1x16xi32>,
    %add3A_81 = arith.constant 0 : i32
    %add3A_82 = arith.addi %mul3A_2, %add3A_81 : i32
    %add3A_83 = arith.constant 96 : i32
    %add3A_84 = arith.addi %add3A_82, %add3A_83 : i32
    %iota3A_85 = tpu.iota {dimensions = array<i32: 0>} : vector<16xi32>
    %add3A_86 = vector.broadcast %add3A_84 : i32 to vector<16xi32>
    %add3A_87 = arith.addi %add3A_86, %iota3A_85 : vector<16xi32>
    %swap3A_88 = arith.constant 0 : i32
    %swap3A_89 = arith.index_cast %swap3A_88 : i32 to index
    %swap3A_90 = arith.constant 96 : index
    %swap3A_91 = tpu.vector_load %arg6[%swap3A_89, %swap3A_90] {strides = array<i32>} : memref<1x512xi32, #tpu.memory_space<vmem>>, vector<1x16xi32>,
    %swap3A_92 = vector.shape_cast %swap3A_91 : vector<1x16xi32> to vector<16xi32>
    %swap3A_93 = vector.shape_cast %add3A_87 : vector<16xi32> to vector<1x16xi32>
    tpu.vector_store %arg6[%swap3A_89, %swap3A_90], %swap3A_93 {strides = array<i32>} : memref<1x512xi32, #tpu.memory_space<vmem>>, vector<1x16xi32>,
    %add3A_94 = arith.constant 0 : i32
    %add3A_95 = arith.addi %mul3A_2, %add3A_94 : i32
    %add3A_96 = arith.constant 112 : i32
    %add3A_97 = arith.addi %add3A_95, %add3A_96 : i32
    %iota3A_98 = tpu.iota {dimensions = array<i32: 0>} : vector<16xi32>
    %add3A_99 = vector.broadcast %add3A_97 : i32 to vector<16xi32>
    %add3A_100 = arith.addi %add3A_99, %iota3A_98 : vector<16xi32>
    %swap3A_101 = arith.constant 0 : i32
    %swap3A_102 = arith.index_cast %swap3A_101 : i32 to index
    %swap3A_103 = arith.constant 112 : index
    %swap3A_104 = tpu.vector_load %arg6[%swap3A_102, %swap3A_103] {strides = array<i32>} : memref<1x512xi32, #tpu.memory_space<vmem>>, vector<1x16xi32>,
    %swap3A_105 = vector.shape_cast %swap3A_104 : vector<1x16xi32> to vector<16xi32>
    %swap3A_106 = vector.shape_cast %add3A_100 : vector<16xi32> to vector<1x16xi32>
    tpu.vector_store %arg6[%swap3A_102, %swap3A_103], %swap3A_106 {strides = array<i32>} : memref<1x512xi32, #tpu.memory_space<vmem>>, vector<1x16xi32>,
    %add3A_107 = arith.constant 0 : i32
    %add3A_108 = arith.addi %mul3A_2, %add3A_107 : i32
    %add3A_109 = arith.constant 128 : i32
    %add3A_110 = arith.addi %add3A_108, %add3A_109 : i32
    %iota3A_111 = tpu.iota {dimensions = array<i32: 0>} : vector<16xi32>
    %add3A_112 = vector.broadcast %add3A_110 : i32 to vector<16xi32>
    %add3A_113 = arith.addi %add3A_112, %iota3A_111 : vector<16xi32>
    %swap3A_114 = arith.constant 0 : i32
    %swap3A_115 = arith.index_cast %swap3A_114 : i32 to index
    %swap3A_116 = arith.constant 128 : index
    %swap3A_117 = tpu.vector_load %arg6[%swap3A_115, %swap3A_116] {strides = array<i32>} : memref<1x512xi32, #tpu.memory_space<vmem>>, vector<1x16xi32>,
    %swap3A_118 = vector.shape_cast %swap3A_117 : vector<1x16xi32> to vector<16xi32>
    %swap3A_119 = vector.shape_cast %add3A_113 : vector<16xi32> to vector<1x16xi32>
    tpu.vector_store %arg6[%swap3A_115, %swap3A_116], %swap3A_119 {strides = array<i32>} : memref<1x512xi32, #tpu.memory_space<vmem>>, vector<1x16xi32>,
    %add3A_120 = arith.constant 0 : i32
    %add3A_121 = arith.addi %mul3A_2, %add3A_120 : i32
    %add3A_122 = arith.constant 144 : i32
    %add3A_123 = arith.addi %add3A_121, %add3A_122 : i32
    %iota3A_124 = tpu.iota {dimensions = array<i32: 0>} : vector<16xi32>
    %add3A_125 = vector.broadcast %add3A_123 : i32 to vector<16xi32>
    %add3A_126 = arith.addi %add3A_125, %iota3A_124 : vector<16xi32>
    %swap3A_127 = arith.constant 0 : i32
    %swap3A_128 = arith.index_cast %swap3A_127 : i32 to index
    %swap3A_129 = arith.constant 144 : index
    %swap3A_130 = tpu.vector_load %arg6[%swap3A_128, %swap3A_129] {strides = array<i32>} : memref<1x512xi32, #tpu.memory_space<vmem>>, vector<1x16xi32>,
    %swap3A_131 = vector.shape_cast %swap3A_130 : vector<1x16xi32> to vector<16xi32>
    %swap3A_132 = vector.shape_cast %add3A_126 : vector<16xi32> to vector<1x16xi32>
    tpu.vector_store %arg6[%swap3A_128, %swap3A_129], %swap3A_132 {strides = array<i32>} : memref<1x512xi32, #tpu.memory_space<vmem>>, vector<1x16xi32>,
    %add3A_133 = arith.constant 0 : i32
    %add3A_134 = arith.addi %mul3A_2, %add3A_133 : i32
    %add3A_135 = arith.constant 160 : i32
    %add3A_136 = arith.addi %add3A_134, %add3A_135 : i32
    %iota3A_137 = tpu.iota {dimensions = array<i32: 0>} : vector<16xi32>
    %add3A_138 = vector.broadcast %add3A_136 : i32 to vector<16xi32>
    %add3A_139 = arith.addi %add3A_138, %iota3A_137 : vector<16xi32>
    %swap3A_140 = arith.constant 0 : i32
    %swap3A_141 = arith.index_cast %swap3A_140 : i32 to index
    %swap3A_142 = arith.constant 160 : index
    %swap3A_143 = tpu.vector_load %arg6[%swap3A_141, %swap3A_142] {strides = array<i32>} : memref<1x512xi32, #tpu.memory_space<vmem>>, vector<1x16xi32>,
    %swap3A_144 = vector.shape_cast %swap3A_143 : vector<1x16xi32> to vector<16xi32>
    %swap3A_145 = vector.shape_cast %add3A_139 : vector<16xi32> to vector<1x16xi32>
    tpu.vector_store %arg6[%swap3A_141, %swap3A_142], %swap3A_145 {strides = array<i32>} : memref<1x512xi32, #tpu.memory_space<vmem>>, vector<1x16xi32>,
    %add3A_146 = arith.constant 0 : i32
    %add3A_147 = arith.addi %mul3A_2, %add3A_146 : i32
    %add3A_148 = arith.constant 176 : i32
    %add3A_149 = arith.addi %add3A_147, %add3A_148 : i32
    %iota3A_150 = tpu.iota {dimensions = array<i32: 0>} : vector<16xi32>
    %add3A_151 = vector.broadcast %add3A_149 : i32 to vector<16xi32>
    %add3A_152 = arith.addi %add3A_151, %iota3A_150 : vector<16xi32>
    %swap3A_153 = arith.constant 0 : i32
    %swap3A_154 = arith.index_cast %swap3A_153 : i32 to index
    %swap3A_155 = arith.constant 176 : index
    %swap3A_156 = tpu.vector_load %arg6[%swap3A_154, %swap3A_155] {strides = array<i32>} : memref<1x512xi32, #tpu.memory_space<vmem>>, vector<1x16xi32>,
    %swap3A_157 = vector.shape_cast %swap3A_156 : vector<1x16xi32> to vector<16xi32>
    %swap3A_158 = vector.shape_cast %add3A_152 : vector<16xi32> to vector<1x16xi32>
    tpu.vector_store %arg6[%swap3A_154, %swap3A_155], %swap3A_158 {strides = array<i32>} : memref<1x512xi32, #tpu.memory_space<vmem>>, vector<1x16xi32>,
    %add3A_159 = arith.constant 0 : i32
    %add3A_160 = arith.addi %mul3A_2, %add3A_159 : i32
    %add3A_161 = arith.constant 192 : i32
    %add3A_162 = arith.addi %add3A_160, %add3A_161 : i32
    %iota3A_163 = tpu.iota {dimensions = array<i32: 0>} : vector<16xi32>
    %add3A_164 = vector.broadcast %add3A_162 : i32 to vector<16xi32>
    %add3A_165 = arith.addi %add3A_164, %iota3A_163 : vector<16xi32>
    %swap3A_166 = arith.constant 0 : i32
    %swap3A_167 = arith.index_cast %swap3A_166 : i32 to index
    %swap3A_168 = arith.constant 192 : index
    %swap3A_169 = tpu.vector_load %arg6[%swap3A_167, %swap3A_168] {strides = array<i32>} : memref<1x512xi32, #tpu.memory_space<vmem>>, vector<1x16xi32>,
    %swap3A_170 = vector.shape_cast %swap3A_169 : vector<1x16xi32> to vector<16xi32>
    %swap3A_171 = vector.shape_cast %add3A_165 : vector<16xi32> to vector<1x16xi32>
    tpu.vector_store %arg6[%swap3A_167, %swap3A_168], %swap3A_171 {strides = array<i32>} : memref<1x512xi32, #tpu.memory_space<vmem>>, vector<1x16xi32>,
    %add3A_172 = arith.constant 0 : i32
    %add3A_173 = arith.addi %mul3A_2, %add3A_172 : i32
    %add3A_174 = arith.constant 208 : i32
    %add3A_175 = arith.addi %add3A_173, %add3A_174 : i32
    %iota3A_176 = tpu.iota {dimensions = array<i32: 0>} : vector<16xi32>
    %add3A_177 = vector.broadcast %add3A_175 : i32 to vector<16xi32>
    %add3A_178 = arith.addi %add3A_177, %iota3A_176 : vector<16xi32>
    %swap3A_179 = arith.constant 0 : i32
    %swap3A_180 = arith.index_cast %swap3A_179 : i32 to index
    %swap3A_181 = arith.constant 208 : index
    %swap3A_182 = tpu.vector_load %arg6[%swap3A_180, %swap3A_181] {strides = array<i32>} : memref<1x512xi32, #tpu.memory_space<vmem>>, vector<1x16xi32>,
    %swap3A_183 = vector.shape_cast %swap3A_182 : vector<1x16xi32> to vector<16xi32>
    %swap3A_184 = vector.shape_cast %add3A_178 : vector<16xi32> to vector<1x16xi32>
    tpu.vector_store %arg6[%swap3A_180, %swap3A_181], %swap3A_184 {strides = array<i32>} : memref<1x512xi32, #tpu.memory_space<vmem>>, vector<1x16xi32>,
    %add3A_185 = arith.constant 0 : i32
    %add3A_186 = arith.addi %mul3A_2, %add3A_185 : i32
    %add3A_187 = arith.constant 224 : i32
    %add3A_188 = arith.addi %add3A_186, %add3A_187 : i32
    %iota3A_189 = tpu.iota {dimensions = array<i32: 0>} : vector<16xi32>
    %add3A_190 = vector.broadcast %add3A_188 : i32 to vector<16xi32>
    %add3A_191 = arith.addi %add3A_190, %iota3A_189 : vector<16xi32>
    %swap3A_192 = arith.constant 0 : i32
    %swap3A_193 = arith.index_cast %swap3A_192 : i32 to index
    %swap3A_194 = arith.constant 224 : index
    %swap3A_195 = tpu.vector_load %arg6[%swap3A_193, %swap3A_194] {strides = array<i32>} : memref<1x512xi32, #tpu.memory_space<vmem>>, vector<1x16xi32>,
    %swap3A_196 = vector.shape_cast %swap3A_195 : vector<1x16xi32> to vector<16xi32>
    %swap3A_197 = vector.shape_cast %add3A_191 : vector<16xi32> to vector<1x16xi32>
    tpu.vector_store %arg6[%swap3A_193, %swap3A_194], %swap3A_197 {strides = array<i32>} : memref<1x512xi32, #tpu.memory_space<vmem>>, vector<1x16xi32>,
    %add3A_198 = arith.constant 0 : i32
    %add3A_199 = arith.addi %mul3A_2, %add3A_198 : i32
    %add3A_200 = arith.constant 240 : i32
    %add3A_201 = arith.addi %add3A_199, %add3A_200 : i32
    %iota3A_202 = tpu.iota {dimensions = array<i32: 0>} : vector<16xi32>
    %add3A_203 = vector.broadcast %add3A_201 : i32 to vector<16xi32>
    %add3A_204 = arith.addi %add3A_203, %iota3A_202 : vector<16xi32>
    %swap3A_205 = arith.constant 0 : i32
    %swap3A_206 = arith.index_cast %swap3A_205 : i32 to index
    %swap3A_207 = arith.constant 240 : index
    %swap3A_208 = tpu.vector_load %arg6[%swap3A_206, %swap3A_207] {strides = array<i32>} : memref<1x512xi32, #tpu.memory_space<vmem>>, vector<1x16xi32>,
    %swap3A_209 = vector.shape_cast %swap3A_208 : vector<1x16xi32> to vector<16xi32>
    %swap3A_210 = vector.shape_cast %add3A_204 : vector<16xi32> to vector<1x16xi32>
    tpu.vector_store %arg6[%swap3A_206, %swap3A_207], %swap3A_210 {strides = array<i32>} : memref<1x512xi32, #tpu.memory_space<vmem>>, vector<1x16xi32>,
    %add3A_211 = arith.constant 0 : i32
    %add3A_212 = arith.addi %mul3A_2, %add3A_211 : i32
    %add3A_213 = arith.constant 256 : i32
    %add3A_214 = arith.addi %add3A_212, %add3A_213 : i32
    %iota3A_215 = tpu.iota {dimensions = array<i32: 0>} : vector<16xi32>
    %add3A_216 = vector.broadcast %add3A_214 : i32 to vector<16xi32>
    %add3A_217 = arith.addi %add3A_216, %iota3A_215 : vector<16xi32>
    %swap3A_218 = arith.constant 0 : i32
    %swap3A_219 = arith.index_cast %swap3A_218 : i32 to index
    %swap3A_220 = arith.constant 256 : index
    %swap3A_221 = tpu.vector_load %arg6[%swap3A_219, %swap3A_220] {strides = array<i32>} : memref<1x512xi32, #tpu.memory_space<vmem>>, vector<1x16xi32>,
    %swap3A_222 = vector.shape_cast %swap3A_221 : vector<1x16xi32> to vector<16xi32>
    %swap3A_223 = vector.shape_cast %add3A_217 : vector<16xi32> to vector<1x16xi32>
    tpu.vector_store %arg6[%swap3A_219, %swap3A_220], %swap3A_223 {strides = array<i32>} : memref<1x512xi32, #tpu.memory_space<vmem>>, vector<1x16xi32>,
    %add3A_224 = arith.constant 0 : i32
    %add3A_225 = arith.addi %mul3A_2, %add3A_224 : i32
    %add3A_226 = arith.constant 272 : i32
    %add3A_227 = arith.addi %add3A_225, %add3A_226 : i32
    %iota3A_228 = tpu.iota {dimensions = array<i32: 0>} : vector<16xi32>
    %add3A_229 = vector.broadcast %add3A_227 : i32 to vector<16xi32>
    %add3A_230 = arith.addi %add3A_229, %iota3A_228 : vector<16xi32>
    %swap3A_231 = arith.constant 0 : i32
    %swap3A_232 = arith.index_cast %swap3A_231 : i32 to index
    %swap3A_233 = arith.constant 272 : index
    %swap3A_234 = tpu.vector_load %arg6[%swap3A_232, %swap3A_233] {strides = array<i32>} : memref<1x512xi32, #tpu.memory_space<vmem>>, vector<1x16xi32>,
    %swap3A_235 = vector.shape_cast %swap3A_234 : vector<1x16xi32> to vector<16xi32>
    %swap3A_236 = vector.shape_cast %add3A_230 : vector<16xi32> to vector<1x16xi32>
    tpu.vector_store %arg6[%swap3A_232, %swap3A_233], %swap3A_236 {strides = array<i32>} : memref<1x512xi32, #tpu.memory_space<vmem>>, vector<1x16xi32>,
    %add3A_237 = arith.constant 0 : i32
    %add3A_238 = arith.addi %mul3A_2, %add3A_237 : i32
    %add3A_239 = arith.constant 288 : i32
    %add3A_240 = arith.addi %add3A_238, %add3A_239 : i32
    %iota3A_241 = tpu.iota {dimensions = array<i32: 0>} : vector<16xi32>
    %add3A_242 = vector.broadcast %add3A_240 : i32 to vector<16xi32>
    %add3A_243 = arith.addi %add3A_242, %iota3A_241 : vector<16xi32>
    %swap3A_244 = arith.constant 0 : i32
    %swap3A_245 = arith.index_cast %swap3A_244 : i32 to index
    %swap3A_246 = arith.constant 288 : index
    %swap3A_247 = tpu.vector_load %arg6[%swap3A_245, %swap3A_246] {strides = array<i32>} : memref<1x512xi32, #tpu.memory_space<vmem>>, vector<1x16xi32>,
    %swap3A_248 = vector.shape_cast %swap3A_247 : vector<1x16xi32> to vector<16xi32>
    %swap3A_249 = vector.shape_cast %add3A_243 : vector<16xi32> to vector<1x16xi32>
    tpu.vector_store %arg6[%swap3A_245, %swap3A_246], %swap3A_249 {strides = array<i32>} : memref<1x512xi32, #tpu.memory_space<vmem>>, vector<1x16xi32>,
    %add3A_250 = arith.constant 0 : i32
    %add3A_251 = arith.addi %mul3A_2, %add3A_250 : i32
    %add3A_252 = arith.constant 304 : i32
    %add3A_253 = arith.addi %add3A_251, %add3A_252 : i32
    %iota3A_254 = tpu.iota {dimensions = array<i32: 0>} : vector<16xi32>
    %add3A_255 = vector.broadcast %add3A_253 : i32 to vector<16xi32>
    %add3A_256 = arith.addi %add3A_255, %iota3A_254 : vector<16xi32>
    %swap3A_257 = arith.constant 0 : i32
    %swap3A_258 = arith.index_cast %swap3A_257 : i32 to index
    %swap3A_259 = arith.constant 304 : index
    %swap3A_260 = tpu.vector_load %arg6[%swap3A_258, %swap3A_259] {strides = array<i32>} : memref<1x512xi32, #tpu.memory_space<vmem>>, vector<1x16xi32>,
    %swap3A_261 = vector.shape_cast %swap3A_260 : vector<1x16xi32> to vector<16xi32>
    %swap3A_262 = vector.shape_cast %add3A_256 : vector<16xi32> to vector<1x16xi32>
    tpu.vector_store %arg6[%swap3A_258, %swap3A_259], %swap3A_262 {strides = array<i32>} : memref<1x512xi32, #tpu.memory_space<vmem>>, vector<1x16xi32>,
    %add3A_263 = arith.constant 0 : i32
    %add3A_264 = arith.addi %mul3A_2, %add3A_263 : i32
    %add3A_265 = arith.constant 320 : i32
    %add3A_266 = arith.addi %add3A_264, %add3A_265 : i32
    %iota3A_267 = tpu.iota {dimensions = array<i32: 0>} : vector<16xi32>
    %add3A_268 = vector.broadcast %add3A_266 : i32 to vector<16xi32>
    %add3A_269 = arith.addi %add3A_268, %iota3A_267 : vector<16xi32>
    %swap3A_270 = arith.constant 0 : i32
    %swap3A_271 = arith.index_cast %swap3A_270 : i32 to index
    %swap3A_272 = arith.constant 320 : index
    %swap3A_273 = tpu.vector_load %arg6[%swap3A_271, %swap3A_272] {strides = array<i32>} : memref<1x512xi32, #tpu.memory_space<vmem>>, vector<1x16xi32>,
    %swap3A_274 = vector.shape_cast %swap3A_273 : vector<1x16xi32> to vector<16xi32>
    %swap3A_275 = vector.shape_cast %add3A_269 : vector<16xi32> to vector<1x16xi32>
    tpu.vector_store %arg6[%swap3A_271, %swap3A_272], %swap3A_275 {strides = array<i32>} : memref<1x512xi32, #tpu.memory_space<vmem>>, vector<1x16xi32>,
    %add3A_276 = arith.constant 0 : i32
    %add3A_277 = arith.addi %mul3A_2, %add3A_276 : i32
    %add3A_278 = arith.constant 336 : i32
    %add3A_279 = arith.addi %add3A_277, %add3A_278 : i32
    %iota3A_280 = tpu.iota {dimensions = array<i32: 0>} : vector<16xi32>
    %add3A_281 = vector.broadcast %add3A_279 : i32 to vector<16xi32>
    %add3A_282 = arith.addi %add3A_281, %iota3A_280 : vector<16xi32>
    %swap3A_283 = arith.constant 0 : i32
    %swap3A_284 = arith.index_cast %swap3A_283 : i32 to index
    %swap3A_285 = arith.constant 336 : index
    %swap3A_286 = tpu.vector_load %arg6[%swap3A_284, %swap3A_285] {strides = array<i32>} : memref<1x512xi32, #tpu.memory_space<vmem>>, vector<1x16xi32>,
    %swap3A_287 = vector.shape_cast %swap3A_286 : vector<1x16xi32> to vector<16xi32>
    %swap3A_288 = vector.shape_cast %add3A_282 : vector<16xi32> to vector<1x16xi32>
    tpu.vector_store %arg6[%swap3A_284, %swap3A_285], %swap3A_288 {strides = array<i32>} : memref<1x512xi32, #tpu.memory_space<vmem>>, vector<1x16xi32>,
    %add3A_289 = arith.constant 0 : i32
    %add3A_290 = arith.addi %mul3A_2, %add3A_289 : i32
    %add3A_291 = arith.constant 352 : i32
    %add3A_292 = arith.addi %add3A_290, %add3A_291 : i32
    %iota3A_293 = tpu.iota {dimensions = array<i32: 0>} : vector<16xi32>
    %add3A_294 = vector.broadcast %add3A_292 : i32 to vector<16xi32>
    %add3A_295 = arith.addi %add3A_294, %iota3A_293 : vector<16xi32>
    %swap3A_296 = arith.constant 0 : i32
    %swap3A_297 = arith.index_cast %swap3A_296 : i32 to index
    %swap3A_298 = arith.constant 352 : index
    %swap3A_299 = tpu.vector_load %arg6[%swap3A_297, %swap3A_298] {strides = array<i32>} : memref<1x512xi32, #tpu.memory_space<vmem>>, vector<1x16xi32>,
    %swap3A_300 = vector.shape_cast %swap3A_299 : vector<1x16xi32> to vector<16xi32>
    %swap3A_301 = vector.shape_cast %add3A_295 : vector<16xi32> to vector<1x16xi32>
    tpu.vector_store %arg6[%swap3A_297, %swap3A_298], %swap3A_301 {strides = array<i32>} : memref<1x512xi32, #tpu.memory_space<vmem>>, vector<1x16xi32>,
    %add3A_302 = arith.constant 0 : i32
    %add3A_303 = arith.addi %mul3A_2, %add3A_302 : i32
    %add3A_304 = arith.constant 368 : i32
    %add3A_305 = arith.addi %add3A_303, %add3A_304 : i32
    %iota3A_306 = tpu.iota {dimensions = array<i32: 0>} : vector<16xi32>
    %add3A_307 = vector.broadcast %add3A_305 : i32 to vector<16xi32>
    %add3A_308 = arith.addi %add3A_307, %iota3A_306 : vector<16xi32>
    %swap3A_309 = arith.constant 0 : i32
    %swap3A_310 = arith.index_cast %swap3A_309 : i32 to index
    %swap3A_311 = arith.constant 368 : index
    %swap3A_312 = tpu.vector_load %arg6[%swap3A_310, %swap3A_311] {strides = array<i32>} : memref<1x512xi32, #tpu.memory_space<vmem>>, vector<1x16xi32>,
    %swap3A_313 = vector.shape_cast %swap3A_312 : vector<1x16xi32> to vector<16xi32>
    %swap3A_314 = vector.shape_cast %add3A_308 : vector<16xi32> to vector<1x16xi32>
    tpu.vector_store %arg6[%swap3A_310, %swap3A_311], %swap3A_314 {strides = array<i32>} : memref<1x512xi32, #tpu.memory_space<vmem>>, vector<1x16xi32>,
    %add3A_315 = arith.constant 0 : i32
    %add3A_316 = arith.addi %mul3A_2, %add3A_315 : i32
    %add3A_317 = arith.constant 384 : i32
    %add3A_318 = arith.addi %add3A_316, %add3A_317 : i32
    %iota3A_319 = tpu.iota {dimensions = array<i32: 0>} : vector<16xi32>
    %add3A_320 = vector.broadcast %add3A_318 : i32 to vector<16xi32>
    %add3A_321 = arith.addi %add3A_320, %iota3A_319 : vector<16xi32>
    %swap3A_322 = arith.constant 0 : i32
    %swap3A_323 = arith.index_cast %swap3A_322 : i32 to index
    %swap3A_324 = arith.constant 384 : index
    %swap3A_325 = tpu.vector_load %arg6[%swap3A_323, %swap3A_324] {strides = array<i32>} : memref<1x512xi32, #tpu.memory_space<vmem>>, vector<1x16xi32>,
    %swap3A_326 = vector.shape_cast %swap3A_325 : vector<1x16xi32> to vector<16xi32>
    %swap3A_327 = vector.shape_cast %add3A_321 : vector<16xi32> to vector<1x16xi32>
    tpu.vector_store %arg6[%swap3A_323, %swap3A_324], %swap3A_327 {strides = array<i32>} : memref<1x512xi32, #tpu.memory_space<vmem>>, vector<1x16xi32>,
    %add3A_328 = arith.constant 0 : i32
    %add3A_329 = arith.addi %mul3A_2, %add3A_328 : i32
    %add3A_330 = arith.constant 400 : i32
    %add3A_331 = arith.addi %add3A_329, %add3A_330 : i32
    %iota3A_332 = tpu.iota {dimensions = array<i32: 0>} : vector<16xi32>
    %add3A_333 = vector.broadcast %add3A_331 : i32 to vector<16xi32>
    %add3A_334 = arith.addi %add3A_333, %iota3A_332 : vector<16xi32>
    %swap3A_335 = arith.constant 0 : i32
    %swap3A_336 = arith.index_cast %swap3A_335 : i32 to index
    %swap3A_337 = arith.constant 400 : index
    %swap3A_338 = tpu.vector_load %arg6[%swap3A_336, %swap3A_337] {strides = array<i32>} : memref<1x512xi32, #tpu.memory_space<vmem>>, vector<1x16xi32>,
    %swap3A_339 = vector.shape_cast %swap3A_338 : vector<1x16xi32> to vector<16xi32>
    %swap3A_340 = vector.shape_cast %add3A_334 : vector<16xi32> to vector<1x16xi32>
    tpu.vector_store %arg6[%swap3A_336, %swap3A_337], %swap3A_340 {strides = array<i32>} : memref<1x512xi32, #tpu.memory_space<vmem>>, vector<1x16xi32>,
    %add3A_341 = arith.constant 0 : i32
    %add3A_342 = arith.addi %mul3A_2, %add3A_341 : i32
    %add3A_343 = arith.constant 416 : i32
    %add3A_344 = arith.addi %add3A_342, %add3A_343 : i32
    %iota3A_345 = tpu.iota {dimensions = array<i32: 0>} : vector<16xi32>
    %add3A_346 = vector.broadcast %add3A_344 : i32 to vector<16xi32>
    %add3A_347 = arith.addi %add3A_346, %iota3A_345 : vector<16xi32>
    %swap3A_348 = arith.constant 0 : i32
    %swap3A_349 = arith.index_cast %swap3A_348 : i32 to index
    %swap3A_350 = arith.constant 416 : index
    %swap3A_351 = tpu.vector_load %arg6[%swap3A_349, %swap3A_350] {strides = array<i32>} : memref<1x512xi32, #tpu.memory_space<vmem>>, vector<1x16xi32>,
    %swap3A_352 = vector.shape_cast %swap3A_351 : vector<1x16xi32> to vector<16xi32>
    %swap3A_353 = vector.shape_cast %add3A_347 : vector<16xi32> to vector<1x16xi32>
    tpu.vector_store %arg6[%swap3A_349, %swap3A_350], %swap3A_353 {strides = array<i32>} : memref<1x512xi32, #tpu.memory_space<vmem>>, vector<1x16xi32>,
    %add3A_354 = arith.constant 0 : i32
    %add3A_355 = arith.addi %mul3A_2, %add3A_354 : i32
    %add3A_356 = arith.constant 432 : i32
    %add3A_357 = arith.addi %add3A_355, %add3A_356 : i32
    %iota3A_358 = tpu.iota {dimensions = array<i32: 0>} : vector<16xi32>
    %add3A_359 = vector.broadcast %add3A_357 : i32 to vector<16xi32>
    %add3A_360 = arith.addi %add3A_359, %iota3A_358 : vector<16xi32>
    %swap3A_361 = arith.constant 0 : i32
    %swap3A_362 = arith.index_cast %swap3A_361 : i32 to index
    %swap3A_363 = arith.constant 432 : index
    %swap3A_364 = tpu.vector_load %arg6[%swap3A_362, %swap3A_363] {strides = array<i32>} : memref<1x512xi32, #tpu.memory_space<vmem>>, vector<1x16xi32>,
    %swap3A_365 = vector.shape_cast %swap3A_364 : vector<1x16xi32> to vector<16xi32>
    %swap3A_366 = vector.shape_cast %add3A_360 : vector<16xi32> to vector<1x16xi32>
    tpu.vector_store %arg6[%swap3A_362, %swap3A_363], %swap3A_366 {strides = array<i32>} : memref<1x512xi32, #tpu.memory_space<vmem>>, vector<1x16xi32>,
    %add3A_367 = arith.constant 0 : i32
    %add3A_368 = arith.addi %mul3A_2, %add3A_367 : i32
    %add3A_369 = arith.constant 448 : i32
    %add3A_370 = arith.addi %add3A_368, %add3A_369 : i32
    %iota3A_371 = tpu.iota {dimensions = array<i32: 0>} : vector<16xi32>
    %add3A_372 = vector.broadcast %add3A_370 : i32 to vector<16xi32>
    %add3A_373 = arith.addi %add3A_372, %iota3A_371 : vector<16xi32>
    %swap3A_374 = arith.constant 0 : i32
    %swap3A_375 = arith.index_cast %swap3A_374 : i32 to index
    %swap3A_376 = arith.constant 448 : index
    %swap3A_377 = tpu.vector_load %arg6[%swap3A_375, %swap3A_376] {strides = array<i32>} : memref<1x512xi32, #tpu.memory_space<vmem>>, vector<1x16xi32>,
    %swap3A_378 = vector.shape_cast %swap3A_377 : vector<1x16xi32> to vector<16xi32>
    %swap3A_379 = vector.shape_cast %add3A_373 : vector<16xi32> to vector<1x16xi32>
    tpu.vector_store %arg6[%swap3A_375, %swap3A_376], %swap3A_379 {strides = array<i32>} : memref<1x512xi32, #tpu.memory_space<vmem>>, vector<1x16xi32>,
    %add3A_380 = arith.constant 0 : i32
    %add3A_381 = arith.addi %mul3A_2, %add3A_380 : i32
    %add3A_382 = arith.constant 464 : i32
    %add3A_383 = arith.addi %add3A_381, %add3A_382 : i32
    %iota3A_384 = tpu.iota {dimensions = array<i32: 0>} : vector<16xi32>
    %add3A_385 = vector.broadcast %add3A_383 : i32 to vector<16xi32>
    %add3A_386 = arith.addi %add3A_385, %iota3A_384 : vector<16xi32>
    %swap3A_387 = arith.constant 0 : i32
    %swap3A_388 = arith.index_cast %swap3A_387 : i32 to index
    %swap3A_389 = arith.constant 464 : index
    %swap3A_390 = tpu.vector_load %arg6[%swap3A_388, %swap3A_389] {strides = array<i32>} : memref<1x512xi32, #tpu.memory_space<vmem>>, vector<1x16xi32>,
    %swap3A_391 = vector.shape_cast %swap3A_390 : vector<1x16xi32> to vector<16xi32>
    %swap3A_392 = vector.shape_cast %add3A_386 : vector<16xi32> to vector<1x16xi32>
    tpu.vector_store %arg6[%swap3A_388, %swap3A_389], %swap3A_392 {strides = array<i32>} : memref<1x512xi32, #tpu.memory_space<vmem>>, vector<1x16xi32>,
    %add3A_393 = arith.constant 0 : i32
    %add3A_394 = arith.addi %mul3A_2, %add3A_393 : i32
    %add3A_395 = arith.constant 480 : i32
    %add3A_396 = arith.addi %add3A_394, %add3A_395 : i32
    %iota3A_397 = tpu.iota {dimensions = array<i32: 0>} : vector<16xi32>
    %add3A_398 = vector.broadcast %add3A_396 : i32 to vector<16xi32>
    %add3A_399 = arith.addi %add3A_398, %iota3A_397 : vector<16xi32>
    %swap3A_400 = arith.constant 0 : i32
    %swap3A_401 = arith.index_cast %swap3A_400 : i32 to index
    %swap3A_402 = arith.constant 480 : index
    %swap3A_403 = tpu.vector_load %arg6[%swap3A_401, %swap3A_402] {strides = array<i32>} : memref<1x512xi32, #tpu.memory_space<vmem>>, vector<1x16xi32>,
    %swap3A_404 = vector.shape_cast %swap3A_403 : vector<1x16xi32> to vector<16xi32>
    %swap3A_405 = vector.shape_cast %add3A_399 : vector<16xi32> to vector<1x16xi32>
    tpu.vector_store %arg6[%swap3A_401, %swap3A_402], %swap3A_405 {strides = array<i32>} : memref<1x512xi32, #tpu.memory_space<vmem>>, vector<1x16xi32>,
    %add3A_406 = arith.constant 0 : i32
    %add3A_407 = arith.addi %mul3A_2, %add3A_406 : i32
    %add3A_408 = arith.constant 496 : i32
    %add3A_409 = arith.addi %add3A_407, %add3A_408 : i32
    %iota3A_410 = tpu.iota {dimensions = array<i32: 0>} : vector<16xi32>
    %add3A_411 = vector.broadcast %add3A_409 : i32 to vector<16xi32>
    %add3A_412 = arith.addi %add3A_411, %iota3A_410 : vector<16xi32>
    %swap3A_413 = arith.constant 0 : i32
    %swap3A_414 = arith.index_cast %swap3A_413 : i32 to index
    %swap3A_415 = arith.constant 496 : index
    %swap3A_416 = tpu.vector_load %arg6[%swap3A_414, %swap3A_415] {strides = array<i32>} : memref<1x512xi32, #tpu.memory_space<vmem>>, vector<1x16xi32>,
    %swap3A_417 = vector.shape_cast %swap3A_416 : vector<1x16xi32> to vector<16xi32>
    %swap3A_418 = vector.shape_cast %add3A_412 : vector<16xi32> to vector<1x16xi32>
    tpu.vector_store %arg6[%swap3A_414, %swap3A_415], %swap3A_418 {strides = array<i32>} : memref<1x512xi32, #tpu.memory_space<vmem>>, vector<1x16xi32>,
    %dma_start3A = arith.constant 0 : i32
    %dma_start3A_419 = arith.constant 0 : i32
    %dma_start3A_420 = arith.constant 0 : i32
    %dma_start3A_421 = tpu.memref_slice %arg6[%dma_start3A, %dma_start3A_420] : memref<1x512xi32, #tpu.memory_space<vmem>> -> memref<1x512xi32, #tpu.memory_space<vmem>>
    %dma_start3A_422 = tpu.memref_squeeze %dma_start3A_421 : memref<1x512xi32, #tpu.memory_space<vmem>> -> memref<512xi32, #tpu.memory_space<vmem>>
    %dma_start3A_423 = arith.constant 0 : i32
    %dma_start3A_424 = tpu.memref_slice %arg5[%dma_start3A_419, %dma_start3A_423] : memref<1x512xi32, #tpu.memory_space<vmem>> -> memref<1x512xi32, #tpu.memory_space<vmem>>
    %dma_start3A_425 = tpu.memref_squeeze %dma_start3A_424 : memref<1x512xi32, #tpu.memory_space<vmem>> -> memref<512xi32, #tpu.memory_space<vmem>>
    %dma_start3A_426 = arith.constant 0 : i32
    %dma_start3A_427 = tpu.memref_slice %arg9[%dma_start3A_426] : memref<1000000xi32, #tpu.memory_space<vmem_shared>> -> memref<1000000xi32, #tpu.memory_space<vmem_shared>>
    tpu.enqueue_indirect_dma source(%dma_start3A_422 : memref<512xi32, #tpu.memory_space<vmem>>) target(%dma_start3A_427 : memref<1000000xi32, #tpu.memory_space<vmem_shared>>) offsets(%dma_start3A_425 : memref<512xi32, #tpu.memory_space<vmem>>) semaphore(%arg10 : memref<!tpu.dma_semaphore, #tpu.memory_space<semaphore_mem>>)
    %dma_wait3A = arith.constant 0 : i32
    %dma_wait3A_428 = arith.constant 0 : i32
    %dma_wait3A_429 = arith.constant 0 : i32
    %dma_wait3A_430 = tpu.memref_slice %arg6[%dma_wait3A, %dma_wait3A_429] : memref<1x512xi32, #tpu.memory_space<vmem>> -> memref<1x512xi32, #tpu.memory_space<vmem>>
    %dma_wait3A_431 = tpu.memref_squeeze %dma_wait3A_430 : memref<1x512xi32, #tpu.memory_space<vmem>> -> memref<512xi32, #tpu.memory_space<vmem>>
    %dma_wait3A_432 = arith.constant 0 : i32
    %dma_wait3A_433 = tpu.memref_slice %arg5[%dma_wait3A_428, %dma_wait3A_432] : memref<1x512xi32, #tpu.memory_space<vmem>> -> memref<1x512xi32, #tpu.memory_space<vmem>>
    %dma_wait3A_434 = tpu.memref_squeeze %dma_wait3A_433 : memref<1x512xi32, #tpu.memory_space<vmem>> -> memref<512xi32, #tpu.memory_space<vmem>>
    %dma_wait3A_435 = arith.constant 0 : i32
    %dma_wait3A_436 = tpu.memref_slice %arg9[%dma_wait3A_435] : memref<1000000xi32, #tpu.memory_space<vmem_shared>> -> memref<1000000xi32, #tpu.memory_space<vmem_shared>>
    tpu.wait_indirect_dma semaphore(%arg10 : memref<!tpu.dma_semaphore, #tpu.memory_space<semaphore_mem>>) src(%dma_wait3A_431 : memref<512xi32, #tpu.memory_space<vmem>>) dst(%dma_wait3A_436 : memref<1000000xi32, #tpu.memory_space<vmem_shared>>)
    %barrier3A = arith.constant 0 : index
    tpu.barrier barrier_id(%barrier3A)
    %dma_start3A_437 = arith.constant 0 : i32
    %dma_start3A_438 = arith.constant 0 : i32
    %dma_start3A_439 = arith.constant 0 : i32
    %dma_start3A_440 = tpu.memref_slice %arg7[%dma_start3A_438, %dma_start3A_439] : memref<1x512xi32, #tpu.memory_space<vmem>> -> memref<1x512xi32, #tpu.memory_space<vmem>>
    %dma_start3A_441 = tpu.memref_squeeze %dma_start3A_440 : memref<1x512xi32, #tpu.memory_space<vmem>> -> memref<512xi32, #tpu.memory_space<vmem>>
    %dma_start3A_442 = arith.constant 0 : i32
    %dma_start3A_443 = tpu.memref_slice %arg5[%dma_start3A_437, %dma_start3A_442] : memref<1x512xi32, #tpu.memory_space<vmem>> -> memref<1x512xi32, #tpu.memory_space<vmem>>
    %dma_start3A_444 = tpu.memref_squeeze %dma_start3A_443 : memref<1x512xi32, #tpu.memory_space<vmem>> -> memref<512xi32, #tpu.memory_space<vmem>>
    %dma_start3A_445 = arith.constant 0 : i32
    %dma_start3A_446 = tpu.memref_slice %arg9[%dma_start3A_445] : memref<1000000xi32, #tpu.memory_space<vmem_shared>> -> memref<1000000xi32, #tpu.memory_space<vmem_shared>>
    tpu.enqueue_indirect_dma source(%dma_start3A_446 : memref<1000000xi32, #tpu.memory_space<vmem_shared>>) target(%dma_start3A_441 : memref<512xi32, #tpu.memory_space<vmem>>) offsets(%dma_start3A_444 : memref<512xi32, #tpu.memory_space<vmem>>) semaphore(%arg10 : memref<!tpu.dma_semaphore, #tpu.memory_space<semaphore_mem>>)
    %dma_wait3A_447 = arith.constant 0 : i32
    %dma_wait3A_448 = arith.constant 0 : i32
    %dma_wait3A_449 = arith.constant 0 : i32
    %dma_wait3A_450 = tpu.memref_slice %arg7[%dma_wait3A_448, %dma_wait3A_449] : memref<1x512xi32, #tpu.memory_space<vmem>> -> memref<1x512xi32, #tpu.memory_space<vmem>>
    %dma_wait3A_451 = tpu.memref_squeeze %dma_wait3A_450 : memref<1x512xi32, #tpu.memory_space<vmem>> -> memref<512xi32, #tpu.memory_space<vmem>>
    %dma_wait3A_452 = arith.constant 0 : i32
    %dma_wait3A_453 = tpu.memref_slice %arg5[%dma_wait3A_447, %dma_wait3A_452] : memref<1x512xi32, #tpu.memory_space<vmem>> -> memref<1x512xi32, #tpu.memory_space<vmem>>
    %dma_wait3A_454 = tpu.memref_squeeze %dma_wait3A_453 : memref<1x512xi32, #tpu.memory_space<vmem>> -> memref<512xi32, #tpu.memory_space<vmem>>
    %dma_wait3A_455 = arith.constant 0 : i32
    %dma_wait3A_456 = tpu.memref_slice %arg9[%dma_wait3A_455] : memref<1000000xi32, #tpu.memory_space<vmem_shared>> -> memref<1000000xi32, #tpu.memory_space<vmem_shared>>
    tpu.wait_indirect_dma semaphore(%arg10 : memref<!tpu.dma_semaphore, #tpu.memory_space<semaphore_mem>>) src(%dma_wait3A_456 : memref<1000000xi32, #tpu.memory_space<vmem_shared>>) dst(%dma_wait3A_451 : memref<512xi32, #tpu.memory_space<vmem>>)
    %get3A = arith.constant 0 : i32
    %get3A_457 = arith.index_cast %get3A : i32 to index
    %get3A_458 = arith.constant 0 : index
    %get3A_459 = tpu.vector_load %arg7[%get3A_457, %get3A_458] {strides = array<i32>} : memref<1x512xi32, #tpu.memory_space<vmem>>, vector<1x16xi32>,
    %get3A_460 = vector.shape_cast %get3A_459 : vector<1x16xi32> to vector<16xi32>
    %max3A = arith.constant 0 : i32
    %max3A_461 = vector.broadcast %max3A : i32 to vector<16xi32>
    %max3A_462 = arith.maxsi %get3A_460, %max3A_461 : vector<16xi32>
    %min3A = arith.constant 16383 : i32
    %min3A_463 = vector.broadcast %min3A : i32 to vector<16xi32>
    %min3A_464 = arith.minsi %max3A_462, %min3A_463 : vector<16xi32>
    %swap3A_465 = arith.constant 0 : i32
    %swap3A_466 = arith.index_cast %swap3A_465 : i32 to index
    %swap3A_467 = arith.constant 0 : index
    %swap3A_468 = tpu.vector_load %arg7[%swap3A_466, %swap3A_467] {strides = array<i32>} : memref<1x512xi32, #tpu.memory_space<vmem>>, vector<1x16xi32>,
    %swap3A_469 = vector.shape_cast %swap3A_468 : vector<1x16xi32> to vector<16xi32>
    %swap3A_470 = vector.shape_cast %min3A_464 : vector<16xi32> to vector<1x16xi32>
    tpu.vector_store %arg7[%swap3A_466, %swap3A_467], %swap3A_470 {strides = array<i32>} : memref<1x512xi32, #tpu.memory_space<vmem>>, vector<1x16xi32>,
    %get3A_471 = arith.constant 0 : i32
    %get3A_472 = arith.index_cast %get3A_471 : i32 to index
    %get3A_473 = arith.constant 16 : index
    %get3A_474 = tpu.vector_load %arg7[%get3A_472, %get3A_473] {strides = array<i32>} : memref<1x512xi32, #tpu.memory_space<vmem>>, vector<1x16xi32>,
    %get3A_475 = vector.shape_cast %get3A_474 : vector<1x16xi32> to vector<16xi32>
    %max3A_476 = arith.constant 0 : i32
    %max3A_477 = vector.broadcast %max3A_476 : i32 to vector<16xi32>
    %max3A_478 = arith.maxsi %get3A_475, %max3A_477 : vector<16xi32>
    %min3A_479 = arith.constant 16383 : i32
    %min3A_480 = vector.broadcast %min3A_479 : i32 to vector<16xi32>
    %min3A_481 = arith.minsi %max3A_478, %min3A_480 : vector<16xi32>
    %swap3A_482 = arith.constant 0 : i32
    %swap3A_483 = arith.index_cast %swap3A_482 : i32 to index
    %swap3A_484 = arith.constant 16 : index
    %swap3A_485 = tpu.vector_load %arg7[%swap3A_483, %swap3A_484] {strides = array<i32>} : memref<1x512xi32, #tpu.memory_space<vmem>>, vector<1x16xi32>,
    %swap3A_486 = vector.shape_cast %swap3A_485 : vector<1x16xi32> to vector<16xi32>
    %swap3A_487 = vector.shape_cast %min3A_481 : vector<16xi32> to vector<1x16xi32>
    tpu.vector_store %arg7[%swap3A_483, %swap3A_484], %swap3A_487 {strides = array<i32>} : memref<1x512xi32, #tpu.memory_space<vmem>>, vector<1x16xi32>,
    %get3A_488 = arith.constant 0 : i32
    %get3A_489 = arith.index_cast %get3A_488 : i32 to index
    %get3A_490 = arith.constant 32 : index
    %get3A_491 = tpu.vector_load %arg7[%get3A_489, %get3A_490] {strides = array<i32>} : memref<1x512xi32, #tpu.memory_space<vmem>>, vector<1x16xi32>,
    %get3A_492 = vector.shape_cast %get3A_491 : vector<1x16xi32> to vector<16xi32>
    %max3A_493 = arith.constant 0 : i32
    %max3A_494 = vector.broadcast %max3A_493 : i32 to vector<16xi32>
    %max3A_495 = arith.maxsi %get3A_492, %max3A_494 : vector<16xi32>
    %min3A_496 = arith.constant 16383 : i32
    %min3A_497 = vector.broadcast %min3A_496 : i32 to vector<16xi32>
    %min3A_498 = arith.minsi %max3A_495, %min3A_497 : vector<16xi32>
    %swap3A_499 = arith.constant 0 : i32
    %swap3A_500 = arith.index_cast %swap3A_499 : i32 to index
    %swap3A_501 = arith.constant 32 : index
    %swap3A_502 = tpu.vector_load %arg7[%swap3A_500, %swap3A_501] {strides = array<i32>} : memref<1x512xi32, #tpu.memory_space<vmem>>, vector<1x16xi32>,
    %swap3A_503 = vector.shape_cast %swap3A_502 : vector<1x16xi32> to vector<16xi32>
    %swap3A_504 = vector.shape_cast %min3A_498 : vector<16xi32> to vector<1x16xi32>
    tpu.vector_store %arg7[%swap3A_500, %swap3A_501], %swap3A_504 {strides = array<i32>} : memref<1x512xi32, #tpu.memory_space<vmem>>, vector<1x16xi32>,
    %get3A_505 = arith.constant 0 : i32
    %get3A_506 = arith.index_cast %get3A_505 : i32 to index
    %get3A_507 = arith.constant 48 : index
    %get3A_508 = tpu.vector_load %arg7[%get3A_506, %get3A_507] {strides = array<i32>} : memref<1x512xi32, #tpu.memory_space<vmem>>, vector<1x16xi32>,
    %get3A_509 = vector.shape_cast %get3A_508 : vector<1x16xi32> to vector<16xi32>
    %max3A_510 = arith.constant 0 : i32
    %max3A_511 = vector.broadcast %max3A_510 : i32 to vector<16xi32>
    %max3A_512 = arith.maxsi %get3A_509, %max3A_511 : vector<16xi32>
    %min3A_513 = arith.constant 16383 : i32
    %min3A_514 = vector.broadcast %min3A_513 : i32 to vector<16xi32>
    %min3A_515 = arith.minsi %max3A_512, %min3A_514 : vector<16xi32>
    %swap3A_516 = arith.constant 0 : i32
    %swap3A_517 = arith.index_cast %swap3A_516 : i32 to index
    %swap3A_518 = arith.constant 48 : index
    %swap3A_519 = tpu.vector_load %arg7[%swap3A_517, %swap3A_518] {strides = array<i32>} : memref<1x512xi32, #tpu.memory_space<vmem>>, vector<1x16xi32>,
    %swap3A_520 = vector.shape_cast %swap3A_519 : vector<1x16xi32> to vector<16xi32>
    %swap3A_521 = vector.shape_cast %min3A_515 : vector<16xi32> to vector<1x16xi32>
    tpu.vector_store %arg7[%swap3A_517, %swap3A_518], %swap3A_521 {strides = array<i32>} : memref<1x512xi32, #tpu.memory_space<vmem>>, vector<1x16xi32>,
    %get3A_522 = arith.constant 0 : i32
    %get3A_523 = arith.index_cast %get3A_522 : i32 to index
    %get3A_524 = arith.constant 64 : index
    %get3A_525 = tpu.vector_load %arg7[%get3A_523, %get3A_524] {strides = array<i32>} : memref<1x512xi32, #tpu.memory_space<vmem>>, vector<1x16xi32>,
    %get3A_526 = vector.shape_cast %get3A_525 : vector<1x16xi32> to vector<16xi32>
    %max3A_527 = arith.constant 0 : i32
    %max3A_528 = vector.broadcast %max3A_527 : i32 to vector<16xi32>
    %max3A_529 = arith.maxsi %get3A_526, %max3A_528 : vector<16xi32>
    %min3A_530 = arith.constant 16383 : i32
    %min3A_531 = vector.broadcast %min3A_530 : i32 to vector<16xi32>
    %min3A_532 = arith.minsi %max3A_529, %min3A_531 : vector<16xi32>
    %swap3A_533 = arith.constant 0 : i32
    %swap3A_534 = arith.index_cast %swap3A_533 : i32 to index
    %swap3A_535 = arith.constant 64 : index
    %swap3A_536 = tpu.vector_load %arg7[%swap3A_534, %swap3A_535] {strides = array<i32>} : memref<1x512xi32, #tpu.memory_space<vmem>>, vector<1x16xi32>,
    %swap3A_537 = vector.shape_cast %swap3A_536 : vector<1x16xi32> to vector<16xi32>
    %swap3A_538 = vector.shape_cast %min3A_532 : vector<16xi32> to vector<1x16xi32>
    tpu.vector_store %arg7[%swap3A_534, %swap3A_535], %swap3A_538 {strides = array<i32>} : memref<1x512xi32, #tpu.memory_space<vmem>>, vector<1x16xi32>,
    %get3A_539 = arith.constant 0 : i32
    %get3A_540 = arith.index_cast %get3A_539 : i32 to index
    %get3A_541 = arith.constant 80 : index
    %get3A_542 = tpu.vector_load %arg7[%get3A_540, %get3A_541] {strides = array<i32>} : memref<1x512xi32, #tpu.memory_space<vmem>>, vector<1x16xi32>,
    %get3A_543 = vector.shape_cast %get3A_542 : vector<1x16xi32> to vector<16xi32>
    %max3A_544 = arith.constant 0 : i32
    %max3A_545 = vector.broadcast %max3A_544 : i32 to vector<16xi32>
    %max3A_546 = arith.maxsi %get3A_543, %max3A_545 : vector<16xi32>
    %min3A_547 = arith.constant 16383 : i32
    %min3A_548 = vector.broadcast %min3A_547 : i32 to vector<16xi32>
    %min3A_549 = arith.minsi %max3A_546, %min3A_548 : vector<16xi32>
    %swap3A_550 = arith.constant 0 : i32
    %swap3A_551 = arith.index_cast %swap3A_550 : i32 to index
    %swap3A_552 = arith.constant 80 : index
    %swap3A_553 = tpu.vector_load %arg7[%swap3A_551, %swap3A_552] {strides = array<i32>} : memref<1x512xi32, #tpu.memory_space<vmem>>, vector<1x16xi32>,
    %swap3A_554 = vector.shape_cast %swap3A_553 : vector<1x16xi32> to vector<16xi32>
    %swap3A_555 = vector.shape_cast %min3A_549 : vector<16xi32> to vector<1x16xi32>
    tpu.vector_store %arg7[%swap3A_551, %swap3A_552], %swap3A_555 {strides = array<i32>} : memref<1x512xi32, #tpu.memory_space<vmem>>, vector<1x16xi32>,
    %get3A_556 = arith.constant 0 : i32
    %get3A_557 = arith.index_cast %get3A_556 : i32 to index
    %get3A_558 = arith.constant 96 : index
    %get3A_559 = tpu.vector_load %arg7[%get3A_557, %get3A_558] {strides = array<i32>} : memref<1x512xi32, #tpu.memory_space<vmem>>, vector<1x16xi32>,
    %get3A_560 = vector.shape_cast %get3A_559 : vector<1x16xi32> to vector<16xi32>
    %max3A_561 = arith.constant 0 : i32
    %max3A_562 = vector.broadcast %max3A_561 : i32 to vector<16xi32>
    %max3A_563 = arith.maxsi %get3A_560, %max3A_562 : vector<16xi32>
    %min3A_564 = arith.constant 16383 : i32
    %min3A_565 = vector.broadcast %min3A_564 : i32 to vector<16xi32>
    %min3A_566 = arith.minsi %max3A_563, %min3A_565 : vector<16xi32>
    %swap3A_567 = arith.constant 0 : i32
    %swap3A_568 = arith.index_cast %swap3A_567 : i32 to index
    %swap3A_569 = arith.constant 96 : index
    %swap3A_570 = tpu.vector_load %arg7[%swap3A_568, %swap3A_569] {strides = array<i32>} : memref<1x512xi32, #tpu.memory_space<vmem>>, vector<1x16xi32>,
    %swap3A_571 = vector.shape_cast %swap3A_570 : vector<1x16xi32> to vector<16xi32>
    %swap3A_572 = vector.shape_cast %min3A_566 : vector<16xi32> to vector<1x16xi32>
    tpu.vector_store %arg7[%swap3A_568, %swap3A_569], %swap3A_572 {strides = array<i32>} : memref<1x512xi32, #tpu.memory_space<vmem>>, vector<1x16xi32>,
    %get3A_573 = arith.constant 0 : i32
    %get3A_574 = arith.index_cast %get3A_573 : i32 to index
    %get3A_575 = arith.constant 112 : index
    %get3A_576 = tpu.vector_load %arg7[%get3A_574, %get3A_575] {strides = array<i32>} : memref<1x512xi32, #tpu.memory_space<vmem>>, vector<1x16xi32>,
    %get3A_577 = vector.shape_cast %get3A_576 : vector<1x16xi32> to vector<16xi32>
    %max3A_578 = arith.constant 0 : i32
    %max3A_579 = vector.broadcast %max3A_578 : i32 to vector<16xi32>
    %max3A_580 = arith.maxsi %get3A_577, %max3A_579 : vector<16xi32>
    %min3A_581 = arith.constant 16383 : i32
    %min3A_582 = vector.broadcast %min3A_581 : i32 to vector<16xi32>
    %min3A_583 = arith.minsi %max3A_580, %min3A_582 : vector<16xi32>
    %swap3A_584 = arith.constant 0 : i32
    %swap3A_585 = arith.index_cast %swap3A_584 : i32 to index
    %swap3A_586 = arith.constant 112 : index
    %swap3A_587 = tpu.vector_load %arg7[%swap3A_585, %swap3A_586] {strides = array<i32>} : memref<1x512xi32, #tpu.memory_space<vmem>>, vector<1x16xi32>,
    %swap3A_588 = vector.shape_cast %swap3A_587 : vector<1x16xi32> to vector<16xi32>
    %swap3A_589 = vector.shape_cast %min3A_583 : vector<16xi32> to vector<1x16xi32>
    tpu.vector_store %arg7[%swap3A_585, %swap3A_586], %swap3A_589 {strides = array<i32>} : memref<1x512xi32, #tpu.memory_space<vmem>>, vector<1x16xi32>,
    %get3A_590 = arith.constant 0 : i32
    %get3A_591 = arith.index_cast %get3A_590 : i32 to index
    %get3A_592 = arith.constant 128 : index
    %get3A_593 = tpu.vector_load %arg7[%get3A_591, %get3A_592] {strides = array<i32>} : memref<1x512xi32, #tpu.memory_space<vmem>>, vector<1x16xi32>,
    %get3A_594 = vector.shape_cast %get3A_593 : vector<1x16xi32> to vector<16xi32>
    %max3A_595 = arith.constant 0 : i32
    %max3A_596 = vector.broadcast %max3A_595 : i32 to vector<16xi32>
    %max3A_597 = arith.maxsi %get3A_594, %max3A_596 : vector<16xi32>
    %min3A_598 = arith.constant 16383 : i32
    %min3A_599 = vector.broadcast %min3A_598 : i32 to vector<16xi32>
    %min3A_600 = arith.minsi %max3A_597, %min3A_599 : vector<16xi32>
    %swap3A_601 = arith.constant 0 : i32
    %swap3A_602 = arith.index_cast %swap3A_601 : i32 to index
    %swap3A_603 = arith.constant 128 : index
    %swap3A_604 = tpu.vector_load %arg7[%swap3A_602, %swap3A_603] {strides = array<i32>} : memref<1x512xi32, #tpu.memory_space<vmem>>, vector<1x16xi32>,
    %swap3A_605 = vector.shape_cast %swap3A_604 : vector<1x16xi32> to vector<16xi32>
    %swap3A_606 = vector.shape_cast %min3A_600 : vector<16xi32> to vector<1x16xi32>
    tpu.vector_store %arg7[%swap3A_602, %swap3A_603], %swap3A_606 {strides = array<i32>} : memref<1x512xi32, #tpu.memory_space<vmem>>, vector<1x16xi32>,
    %get3A_607 = arith.constant 0 : i32
    %get3A_608 = arith.index_cast %get3A_607 : i32 to index
    %get3A_609 = arith.constant 144 : index
    %get3A_610 = tpu.vector_load %arg7[%get3A_608, %get3A_609] {strides = array<i32>} : memref<1x512xi32, #tpu.memory_space<vmem>>, vector<1x16xi32>,
    %get3A_611 = vector.shape_cast %get3A_610 : vector<1x16xi32> to vector<16xi32>
    %max3A_612 = arith.constant 0 : i32
    %max3A_613 = vector.broadcast %max3A_612 : i32 to vector<16xi32>
    %max3A_614 = arith.maxsi %get3A_611, %max3A_613 : vector<16xi32>
    %min3A_615 = arith.constant 16383 : i32
    %min3A_616 = vector.broadcast %min3A_615 : i32 to vector<16xi32>
    %min3A_617 = arith.minsi %max3A_614, %min3A_616 : vector<16xi32>
    %swap3A_618 = arith.constant 0 : i32
    %swap3A_619 = arith.index_cast %swap3A_618 : i32 to index
    %swap3A_620 = arith.constant 144 : index
    %swap3A_621 = tpu.vector_load %arg7[%swap3A_619, %swap3A_620] {strides = array<i32>} : memref<1x512xi32, #tpu.memory_space<vmem>>, vector<1x16xi32>,
    %swap3A_622 = vector.shape_cast %swap3A_621 : vector<1x16xi32> to vector<16xi32>
    %swap3A_623 = vector.shape_cast %min3A_617 : vector<16xi32> to vector<1x16xi32>
    tpu.vector_store %arg7[%swap3A_619, %swap3A_620], %swap3A_623 {strides = array<i32>} : memref<1x512xi32, #tpu.memory_space<vmem>>, vector<1x16xi32>,
    %get3A_624 = arith.constant 0 : i32
    %get3A_625 = arith.index_cast %get3A_624 : i32 to index
    %get3A_626 = arith.constant 160 : index
    %get3A_627 = tpu.vector_load %arg7[%get3A_625, %get3A_626] {strides = array<i32>} : memref<1x512xi32, #tpu.memory_space<vmem>>, vector<1x16xi32>,
    %get3A_628 = vector.shape_cast %get3A_627 : vector<1x16xi32> to vector<16xi32>
    %max3A_629 = arith.constant 0 : i32
    %max3A_630 = vector.broadcast %max3A_629 : i32 to vector<16xi32>
    %max3A_631 = arith.maxsi %get3A_628, %max3A_630 : vector<16xi32>
    %min3A_632 = arith.constant 16383 : i32
    %min3A_633 = vector.broadcast %min3A_632 : i32 to vector<16xi32>
    %min3A_634 = arith.minsi %max3A_631, %min3A_633 : vector<16xi32>
    %swap3A_635 = arith.constant 0 : i32
    %swap3A_636 = arith.index_cast %swap3A_635 : i32 to index
    %swap3A_637 = arith.constant 160 : index
    %swap3A_638 = tpu.vector_load %arg7[%swap3A_636, %swap3A_637] {strides = array<i32>} : memref<1x512xi32, #tpu.memory_space<vmem>>, vector<1x16xi32>,
    %swap3A_639 = vector.shape_cast %swap3A_638 : vector<1x16xi32> to vector<16xi32>
    %swap3A_640 = vector.shape_cast %min3A_634 : vector<16xi32> to vector<1x16xi32>
    tpu.vector_store %arg7[%swap3A_636, %swap3A_637], %swap3A_640 {strides = array<i32>} : memref<1x512xi32, #tpu.memory_space<vmem>>, vector<1x16xi32>,
    %get3A_641 = arith.constant 0 : i32
    %get3A_642 = arith.index_cast %get3A_641 : i32 to index
    %get3A_643 = arith.constant 176 : index
    %get3A_644 = tpu.vector_load %arg7[%get3A_642, %get3A_643] {strides = array<i32>} : memref<1x512xi32, #tpu.memory_space<vmem>>, vector<1x16xi32>,
    %get3A_645 = vector.shape_cast %get3A_644 : vector<1x16xi32> to vector<16xi32>
    %max3A_646 = arith.constant 0 : i32
    %max3A_647 = vector.broadcast %max3A_646 : i32 to vector<16xi32>
    %max3A_648 = arith.maxsi %get3A_645, %max3A_647 : vector<16xi32>
    %min3A_649 = arith.constant 16383 : i32
    %min3A_650 = vector.broadcast %min3A_649 : i32 to vector<16xi32>
    %min3A_651 = arith.minsi %max3A_648, %min3A_650 : vector<16xi32>
    %swap3A_652 = arith.constant 0 : i32
    %swap3A_653 = arith.index_cast %swap3A_652 : i32 to index
    %swap3A_654 = arith.constant 176 : index
    %swap3A_655 = tpu.vector_load %arg7[%swap3A_653, %swap3A_654] {strides = array<i32>} : memref<1x512xi32, #tpu.memory_space<vmem>>, vector<1x16xi32>,
    %swap3A_656 = vector.shape_cast %swap3A_655 : vector<1x16xi32> to vector<16xi32>
    %swap3A_657 = vector.shape_cast %min3A_651 : vector<16xi32> to vector<1x16xi32>
    tpu.vector_store %arg7[%swap3A_653, %swap3A_654], %swap3A_657 {strides = array<i32>} : memref<1x512xi32, #tpu.memory_space<vmem>>, vector<1x16xi32>,
    %get3A_658 = arith.constant 0 : i32
    %get3A_659 = arith.index_cast %get3A_658 : i32 to index
    %get3A_660 = arith.constant 192 : index
    %get3A_661 = tpu.vector_load %arg7[%get3A_659, %get3A_660] {strides = array<i32>} : memref<1x512xi32, #tpu.memory_space<vmem>>, vector<1x16xi32>,
    %get3A_662 = vector.shape_cast %get3A_661 : vector<1x16xi32> to vector<16xi32>
    %max3A_663 = arith.constant 0 : i32
    %max3A_664 = vector.broadcast %max3A_663 : i32 to vector<16xi32>
    %max3A_665 = arith.maxsi %get3A_662, %max3A_664 : vector<16xi32>
    %min3A_666 = arith.constant 16383 : i32
    %min3A_667 = vector.broadcast %min3A_666 : i32 to vector<16xi32>
    %min3A_668 = arith.minsi %max3A_665, %min3A_667 : vector<16xi32>
    %swap3A_669 = arith.constant 0 : i32
    %swap3A_670 = arith.index_cast %swap3A_669 : i32 to index
    %swap3A_671 = arith.constant 192 : index
    %swap3A_672 = tpu.vector_load %arg7[%swap3A_670, %swap3A_671] {strides = array<i32>} : memref<1x512xi32, #tpu.memory_space<vmem>>, vector<1x16xi32>,
    %swap3A_673 = vector.shape_cast %swap3A_672 : vector<1x16xi32> to vector<16xi32>
    %swap3A_674 = vector.shape_cast %min3A_668 : vector<16xi32> to vector<1x16xi32>
    tpu.vector_store %arg7[%swap3A_670, %swap3A_671], %swap3A_674 {strides = array<i32>} : memref<1x512xi32, #tpu.memory_space<vmem>>, vector<1x16xi32>,
    %get3A_675 = arith.constant 0 : i32
    %get3A_676 = arith.index_cast %get3A_675 : i32 to index
    %get3A_677 = arith.constant 208 : index
    %get3A_678 = tpu.vector_load %arg7[%get3A_676, %get3A_677] {strides = array<i32>} : memref<1x512xi32, #tpu.memory_space<vmem>>, vector<1x16xi32>,
    %get3A_679 = vector.shape_cast %get3A_678 : vector<1x16xi32> to vector<16xi32>
    %max3A_680 = arith.constant 0 : i32
    %max3A_681 = vector.broadcast %max3A_680 : i32 to vector<16xi32>
    %max3A_682 = arith.maxsi %get3A_679, %max3A_681 : vector<16xi32>
    %min3A_683 = arith.constant 16383 : i32
    %min3A_684 = vector.broadcast %min3A_683 : i32 to vector<16xi32>
    %min3A_685 = arith.minsi %max3A_682, %min3A_684 : vector<16xi32>
    %swap3A_686 = arith.constant 0 : i32
    %swap3A_687 = arith.index_cast %swap3A_686 : i32 to index
    %swap3A_688 = arith.constant 208 : index
    %swap3A_689 = tpu.vector_load %arg7[%swap3A_687, %swap3A_688] {strides = array<i32>} : memref<1x512xi32, #tpu.memory_space<vmem>>, vector<1x16xi32>,
    %swap3A_690 = vector.shape_cast %swap3A_689 : vector<1x16xi32> to vector<16xi32>
    %swap3A_691 = vector.shape_cast %min3A_685 : vector<16xi32> to vector<1x16xi32>
    tpu.vector_store %arg7[%swap3A_687, %swap3A_688], %swap3A_691 {strides = array<i32>} : memref<1x512xi32, #tpu.memory_space<vmem>>, vector<1x16xi32>,
    %get3A_692 = arith.constant 0 : i32
    %get3A_693 = arith.index_cast %get3A_692 : i32 to index
    %get3A_694 = arith.constant 224 : index
    %get3A_695 = tpu.vector_load %arg7[%get3A_693, %get3A_694] {strides = array<i32>} : memref<1x512xi32, #tpu.memory_space<vmem>>, vector<1x16xi32>,
    %get3A_696 = vector.shape_cast %get3A_695 : vector<1x16xi32> to vector<16xi32>
    %max3A_697 = arith.constant 0 : i32
    %max3A_698 = vector.broadcast %max3A_697 : i32 to vector<16xi32>
    %max3A_699 = arith.maxsi %get3A_696, %max3A_698 : vector<16xi32>
    %min3A_700 = arith.constant 16383 : i32
    %min3A_701 = vector.broadcast %min3A_700 : i32 to vector<16xi32>
    %min3A_702 = arith.minsi %max3A_699, %min3A_701 : vector<16xi32>
    %swap3A_703 = arith.constant 0 : i32
    %swap3A_704 = arith.index_cast %swap3A_703 : i32 to index
    %swap3A_705 = arith.constant 224 : index
    %swap3A_706 = tpu.vector_load %arg7[%swap3A_704, %swap3A_705] {strides = array<i32>} : memref<1x512xi32, #tpu.memory_space<vmem>>, vector<1x16xi32>,
    %swap3A_707 = vector.shape_cast %swap3A_706 : vector<1x16xi32> to vector<16xi32>
    %swap3A_708 = vector.shape_cast %min3A_702 : vector<16xi32> to vector<1x16xi32>
    tpu.vector_store %arg7[%swap3A_704, %swap3A_705], %swap3A_708 {strides = array<i32>} : memref<1x512xi32, #tpu.memory_space<vmem>>, vector<1x16xi32>,
    %get3A_709 = arith.constant 0 : i32
    %get3A_710 = arith.index_cast %get3A_709 : i32 to index
    %get3A_711 = arith.constant 240 : index
    %get3A_712 = tpu.vector_load %arg7[%get3A_710, %get3A_711] {strides = array<i32>} : memref<1x512xi32, #tpu.memory_space<vmem>>, vector<1x16xi32>,
    %get3A_713 = vector.shape_cast %get3A_712 : vector<1x16xi32> to vector<16xi32>
    %max3A_714 = arith.constant 0 : i32
    %max3A_715 = vector.broadcast %max3A_714 : i32 to vector<16xi32>
    %max3A_716 = arith.maxsi %get3A_713, %max3A_715 : vector<16xi32>
    %min3A_717 = arith.constant 16383 : i32
    %min3A_718 = vector.broadcast %min3A_717 : i32 to vector<16xi32>
    %min3A_719 = arith.minsi %max3A_716, %min3A_718 : vector<16xi32>
    %swap3A_720 = arith.constant 0 : i32
    %swap3A_721 = arith.index_cast %swap3A_720 : i32 to index
    %swap3A_722 = arith.constant 240 : index
    %swap3A_723 = tpu.vector_load %arg7[%swap3A_721, %swap3A_722] {strides = array<i32>} : memref<1x512xi32, #tpu.memory_space<vmem>>, vector<1x16xi32>,
    %swap3A_724 = vector.shape_cast %swap3A_723 : vector<1x16xi32> to vector<16xi32>
    %swap3A_725 = vector.shape_cast %min3A_719 : vector<16xi32> to vector<1x16xi32>
    tpu.vector_store %arg7[%swap3A_721, %swap3A_722], %swap3A_725 {strides = array<i32>} : memref<1x512xi32, #tpu.memory_space<vmem>>, vector<1x16xi32>,
    %get3A_726 = arith.constant 0 : i32
    %get3A_727 = arith.index_cast %get3A_726 : i32 to index
    %get3A_728 = arith.constant 256 : index
    %get3A_729 = tpu.vector_load %arg7[%get3A_727, %get3A_728] {strides = array<i32>} : memref<1x512xi32, #tpu.memory_space<vmem>>, vector<1x16xi32>,
    %get3A_730 = vector.shape_cast %get3A_729 : vector<1x16xi32> to vector<16xi32>
    %max3A_731 = arith.constant 0 : i32
    %max3A_732 = vector.broadcast %max3A_731 : i32 to vector<16xi32>
    %max3A_733 = arith.maxsi %get3A_730, %max3A_732 : vector<16xi32>
    %min3A_734 = arith.constant 16383 : i32
    %min3A_735 = vector.broadcast %min3A_734 : i32 to vector<16xi32>
    %min3A_736 = arith.minsi %max3A_733, %min3A_735 : vector<16xi32>
    %swap3A_737 = arith.constant 0 : i32
    %swap3A_738 = arith.index_cast %swap3A_737 : i32 to index
    %swap3A_739 = arith.constant 256 : index
    %swap3A_740 = tpu.vector_load %arg7[%swap3A_738, %swap3A_739] {strides = array<i32>} : memref<1x512xi32, #tpu.memory_space<vmem>>, vector<1x16xi32>,
    %swap3A_741 = vector.shape_cast %swap3A_740 : vector<1x16xi32> to vector<16xi32>
    %swap3A_742 = vector.shape_cast %min3A_736 : vector<16xi32> to vector<1x16xi32>
    tpu.vector_store %arg7[%swap3A_738, %swap3A_739], %swap3A_742 {strides = array<i32>} : memref<1x512xi32, #tpu.memory_space<vmem>>, vector<1x16xi32>,
    %get3A_743 = arith.constant 0 : i32
    %get3A_744 = arith.index_cast %get3A_743 : i32 to index
    %get3A_745 = arith.constant 272 : index
    %get3A_746 = tpu.vector_load %arg7[%get3A_744, %get3A_745] {strides = array<i32>} : memref<1x512xi32, #tpu.memory_space<vmem>>, vector<1x16xi32>,
    %get3A_747 = vector.shape_cast %get3A_746 : vector<1x16xi32> to vector<16xi32>
    %max3A_748 = arith.constant 0 : i32
    %max3A_749 = vector.broadcast %max3A_748 : i32 to vector<16xi32>
    %max3A_750 = arith.maxsi %get3A_747, %max3A_749 : vector<16xi32>
    %min3A_751 = arith.constant 16383 : i32
    %min3A_752 = vector.broadcast %min3A_751 : i32 to vector<16xi32>
    %min3A_753 = arith.minsi %max3A_750, %min3A_752 : vector<16xi32>
    %swap3A_754 = arith.constant 0 : i32
    %swap3A_755 = arith.index_cast %swap3A_754 : i32 to index
    %swap3A_756 = arith.constant 272 : index
    %swap3A_757 = tpu.vector_load %arg7[%swap3A_755, %swap3A_756] {strides = array<i32>} : memref<1x512xi32, #tpu.memory_space<vmem>>, vector<1x16xi32>,
    %swap3A_758 = vector.shape_cast %swap3A_757 : vector<1x16xi32> to vector<16xi32>
    %swap3A_759 = vector.shape_cast %min3A_753 : vector<16xi32> to vector<1x16xi32>
    tpu.vector_store %arg7[%swap3A_755, %swap3A_756], %swap3A_759 {strides = array<i32>} : memref<1x512xi32, #tpu.memory_space<vmem>>, vector<1x16xi32>,
    %get3A_760 = arith.constant 0 : i32
    %get3A_761 = arith.index_cast %get3A_760 : i32 to index
    %get3A_762 = arith.constant 288 : index
    %get3A_763 = tpu.vector_load %arg7[%get3A_761, %get3A_762] {strides = array<i32>} : memref<1x512xi32, #tpu.memory_space<vmem>>, vector<1x16xi32>,
    %get3A_764 = vector.shape_cast %get3A_763 : vector<1x16xi32> to vector<16xi32>
    %max3A_765 = arith.constant 0 : i32
    %max3A_766 = vector.broadcast %max3A_765 : i32 to vector<16xi32>
    %max3A_767 = arith.maxsi %get3A_764, %max3A_766 : vector<16xi32>
    %min3A_768 = arith.constant 16383 : i32
    %min3A_769 = vector.broadcast %min3A_768 : i32 to vector<16xi32>
    %min3A_770 = arith.minsi %max3A_767, %min3A_769 : vector<16xi32>
    %swap3A_771 = arith.constant 0 : i32
    %swap3A_772 = arith.index_cast %swap3A_771 : i32 to index
    %swap3A_773 = arith.constant 288 : index
    %swap3A_774 = tpu.vector_load %arg7[%swap3A_772, %swap3A_773] {strides = array<i32>} : memref<1x512xi32, #tpu.memory_space<vmem>>, vector<1x16xi32>,
    %swap3A_775 = vector.shape_cast %swap3A_774 : vector<1x16xi32> to vector<16xi32>
    %swap3A_776 = vector.shape_cast %min3A_770 : vector<16xi32> to vector<1x16xi32>
    tpu.vector_store %arg7[%swap3A_772, %swap3A_773], %swap3A_776 {strides = array<i32>} : memref<1x512xi32, #tpu.memory_space<vmem>>, vector<1x16xi32>,
    %get3A_777 = arith.constant 0 : i32
    %get3A_778 = arith.index_cast %get3A_777 : i32 to index
    %get3A_779 = arith.constant 304 : index
    %get3A_780 = tpu.vector_load %arg7[%get3A_778, %get3A_779] {strides = array<i32>} : memref<1x512xi32, #tpu.memory_space<vmem>>, vector<1x16xi32>,
    %get3A_781 = vector.shape_cast %get3A_780 : vector<1x16xi32> to vector<16xi32>
    %max3A_782 = arith.constant 0 : i32
    %max3A_783 = vector.broadcast %max3A_782 : i32 to vector<16xi32>
    %max3A_784 = arith.maxsi %get3A_781, %max3A_783 : vector<16xi32>
    %min3A_785 = arith.constant 16383 : i32
    %min3A_786 = vector.broadcast %min3A_785 : i32 to vector<16xi32>
    %min3A_787 = arith.minsi %max3A_784, %min3A_786 : vector<16xi32>
    %swap3A_788 = arith.constant 0 : i32
    %swap3A_789 = arith.index_cast %swap3A_788 : i32 to index
    %swap3A_790 = arith.constant 304 : index
    %swap3A_791 = tpu.vector_load %arg7[%swap3A_789, %swap3A_790] {strides = array<i32>} : memref<1x512xi32, #tpu.memory_space<vmem>>, vector<1x16xi32>,
    %swap3A_792 = vector.shape_cast %swap3A_791 : vector<1x16xi32> to vector<16xi32>
    %swap3A_793 = vector.shape_cast %min3A_787 : vector<16xi32> to vector<1x16xi32>
    tpu.vector_store %arg7[%swap3A_789, %swap3A_790], %swap3A_793 {strides = array<i32>} : memref<1x512xi32, #tpu.memory_space<vmem>>, vector<1x16xi32>,
    %get3A_794 = arith.constant 0 : i32
    %get3A_795 = arith.index_cast %get3A_794 : i32 to index
    %get3A_796 = arith.constant 320 : index
    %get3A_797 = tpu.vector_load %arg7[%get3A_795, %get3A_796] {strides = array<i32>} : memref<1x512xi32, #tpu.memory_space<vmem>>, vector<1x16xi32>,
    %get3A_798 = vector.shape_cast %get3A_797 : vector<1x16xi32> to vector<16xi32>
    %max3A_799 = arith.constant 0 : i32
    %max3A_800 = vector.broadcast %max3A_799 : i32 to vector<16xi32>
    %max3A_801 = arith.maxsi %get3A_798, %max3A_800 : vector<16xi32>
    %min3A_802 = arith.constant 16383 : i32
    %min3A_803 = vector.broadcast %min3A_802 : i32 to vector<16xi32>
    %min3A_804 = arith.minsi %max3A_801, %min3A_803 : vector<16xi32>
    %swap3A_805 = arith.constant 0 : i32
    %swap3A_806 = arith.index_cast %swap3A_805 : i32 to index
    %swap3A_807 = arith.constant 320 : index
    %swap3A_808 = tpu.vector_load %arg7[%swap3A_806, %swap3A_807] {strides = array<i32>} : memref<1x512xi32, #tpu.memory_space<vmem>>, vector<1x16xi32>,
    %swap3A_809 = vector.shape_cast %swap3A_808 : vector<1x16xi32> to vector<16xi32>
    %swap3A_810 = vector.shape_cast %min3A_804 : vector<16xi32> to vector<1x16xi32>
    tpu.vector_store %arg7[%swap3A_806, %swap3A_807], %swap3A_810 {strides = array<i32>} : memref<1x512xi32, #tpu.memory_space<vmem>>, vector<1x16xi32>,
    %get3A_811 = arith.constant 0 : i32
    %get3A_812 = arith.index_cast %get3A_811 : i32 to index
    %get3A_813 = arith.constant 336 : index
    %get3A_814 = tpu.vector_load %arg7[%get3A_812, %get3A_813] {strides = array<i32>} : memref<1x512xi32, #tpu.memory_space<vmem>>, vector<1x16xi32>,
    %get3A_815 = vector.shape_cast %get3A_814 : vector<1x16xi32> to vector<16xi32>
    %max3A_816 = arith.constant 0 : i32
    %max3A_817 = vector.broadcast %max3A_816 : i32 to vector<16xi32>
    %max3A_818 = arith.maxsi %get3A_815, %max3A_817 : vector<16xi32>
    %min3A_819 = arith.constant 16383 : i32
    %min3A_820 = vector.broadcast %min3A_819 : i32 to vector<16xi32>
    %min3A_821 = arith.minsi %max3A_818, %min3A_820 : vector<16xi32>
    %swap3A_822 = arith.constant 0 : i32
    %swap3A_823 = arith.index_cast %swap3A_822 : i32 to index
    %swap3A_824 = arith.constant 336 : index
    %swap3A_825 = tpu.vector_load %arg7[%swap3A_823, %swap3A_824] {strides = array<i32>} : memref<1x512xi32, #tpu.memory_space<vmem>>, vector<1x16xi32>,
    %swap3A_826 = vector.shape_cast %swap3A_825 : vector<1x16xi32> to vector<16xi32>
    %swap3A_827 = vector.shape_cast %min3A_821 : vector<16xi32> to vector<1x16xi32>
    tpu.vector_store %arg7[%swap3A_823, %swap3A_824], %swap3A_827 {strides = array<i32>} : memref<1x512xi32, #tpu.memory_space<vmem>>, vector<1x16xi32>,
    %get3A_828 = arith.constant 0 : i32
    %get3A_829 = arith.index_cast %get3A_828 : i32 to index
    %get3A_830 = arith.constant 352 : index
    %get3A_831 = tpu.vector_load %arg7[%get3A_829, %get3A_830] {strides = array<i32>} : memref<1x512xi32, #tpu.memory_space<vmem>>, vector<1x16xi32>,
    %get3A_832 = vector.shape_cast %get3A_831 : vector<1x16xi32> to vector<16xi32>
    %max3A_833 = arith.constant 0 : i32
    %max3A_834 = vector.broadcast %max3A_833 : i32 to vector<16xi32>
    %max3A_835 = arith.maxsi %get3A_832, %max3A_834 : vector<16xi32>
    %min3A_836 = arith.constant 16383 : i32
    %min3A_837 = vector.broadcast %min3A_836 : i32 to vector<16xi32>
    %min3A_838 = arith.minsi %max3A_835, %min3A_837 : vector<16xi32>
    %swap3A_839 = arith.constant 0 : i32
    %swap3A_840 = arith.index_cast %swap3A_839 : i32 to index
    %swap3A_841 = arith.constant 352 : index
    %swap3A_842 = tpu.vector_load %arg7[%swap3A_840, %swap3A_841] {strides = array<i32>} : memref<1x512xi32, #tpu.memory_space<vmem>>, vector<1x16xi32>,
    %swap3A_843 = vector.shape_cast %swap3A_842 : vector<1x16xi32> to vector<16xi32>
    %swap3A_844 = vector.shape_cast %min3A_838 : vector<16xi32> to vector<1x16xi32>
    tpu.vector_store %arg7[%swap3A_840, %swap3A_841], %swap3A_844 {strides = array<i32>} : memref<1x512xi32, #tpu.memory_space<vmem>>, vector<1x16xi32>,
    %get3A_845 = arith.constant 0 : i32
    %get3A_846 = arith.index_cast %get3A_845 : i32 to index
    %get3A_847 = arith.constant 368 : index
    %get3A_848 = tpu.vector_load %arg7[%get3A_846, %get3A_847] {strides = array<i32>} : memref<1x512xi32, #tpu.memory_space<vmem>>, vector<1x16xi32>,
    %get3A_849 = vector.shape_cast %get3A_848 : vector<1x16xi32> to vector<16xi32>
    %max3A_850 = arith.constant 0 : i32
    %max3A_851 = vector.broadcast %max3A_850 : i32 to vector<16xi32>
    %max3A_852 = arith.maxsi %get3A_849, %max3A_851 : vector<16xi32>
    %min3A_853 = arith.constant 16383 : i32
    %min3A_854 = vector.broadcast %min3A_853 : i32 to vector<16xi32>
    %min3A_855 = arith.minsi %max3A_852, %min3A_854 : vector<16xi32>
    %swap3A_856 = arith.constant 0 : i32
    %swap3A_857 = arith.index_cast %swap3A_856 : i32 to index
    %swap3A_858 = arith.constant 368 : index
    %swap3A_859 = tpu.vector_load %arg7[%swap3A_857, %swap3A_858] {strides = array<i32>} : memref<1x512xi32, #tpu.memory_space<vmem>>, vector<1x16xi32>,
    %swap3A_860 = vector.shape_cast %swap3A_859 : vector<1x16xi32> to vector<16xi32>
    %swap3A_861 = vector.shape_cast %min3A_855 : vector<16xi32> to vector<1x16xi32>
    tpu.vector_store %arg7[%swap3A_857, %swap3A_858], %swap3A_861 {strides = array<i32>} : memref<1x512xi32, #tpu.memory_space<vmem>>, vector<1x16xi32>,
    %get3A_862 = arith.constant 0 : i32
    %get3A_863 = arith.index_cast %get3A_862 : i32 to index
    %get3A_864 = arith.constant 384 : index
    %get3A_865 = tpu.vector_load %arg7[%get3A_863, %get3A_864] {strides = array<i32>} : memref<1x512xi32, #tpu.memory_space<vmem>>, vector<1x16xi32>,
    %get3A_866 = vector.shape_cast %get3A_865 : vector<1x16xi32> to vector<16xi32>
    %max3A_867 = arith.constant 0 : i32
    %max3A_868 = vector.broadcast %max3A_867 : i32 to vector<16xi32>
    %max3A_869 = arith.maxsi %get3A_866, %max3A_868 : vector<16xi32>
    %min3A_870 = arith.constant 16383 : i32
    %min3A_871 = vector.broadcast %min3A_870 : i32 to vector<16xi32>
    %min3A_872 = arith.minsi %max3A_869, %min3A_871 : vector<16xi32>
    %swap3A_873 = arith.constant 0 : i32
    %swap3A_874 = arith.index_cast %swap3A_873 : i32 to index
    %swap3A_875 = arith.constant 384 : index
    %swap3A_876 = tpu.vector_load %arg7[%swap3A_874, %swap3A_875] {strides = array<i32>} : memref<1x512xi32, #tpu.memory_space<vmem>>, vector<1x16xi32>,
    %swap3A_877 = vector.shape_cast %swap3A_876 : vector<1x16xi32> to vector<16xi32>
    %swap3A_878 = vector.shape_cast %min3A_872 : vector<16xi32> to vector<1x16xi32>
    tpu.vector_store %arg7[%swap3A_874, %swap3A_875], %swap3A_878 {strides = array<i32>} : memref<1x512xi32, #tpu.memory_space<vmem>>, vector<1x16xi32>,
    %get3A_879 = arith.constant 0 : i32
    %get3A_880 = arith.index_cast %get3A_879 : i32 to index
    %get3A_881 = arith.constant 400 : index
    %get3A_882 = tpu.vector_load %arg7[%get3A_880, %get3A_881] {strides = array<i32>} : memref<1x512xi32, #tpu.memory_space<vmem>>, vector<1x16xi32>,
    %get3A_883 = vector.shape_cast %get3A_882 : vector<1x16xi32> to vector<16xi32>
    %max3A_884 = arith.constant 0 : i32
    %max3A_885 = vector.broadcast %max3A_884 : i32 to vector<16xi32>
    %max3A_886 = arith.maxsi %get3A_883, %max3A_885 : vector<16xi32>
    %min3A_887 = arith.constant 16383 : i32
    %min3A_888 = vector.broadcast %min3A_887 : i32 to vector<16xi32>
    %min3A_889 = arith.minsi %max3A_886, %min3A_888 : vector<16xi32>
    %swap3A_890 = arith.constant 0 : i32
    %swap3A_891 = arith.index_cast %swap3A_890 : i32 to index
    %swap3A_892 = arith.constant 400 : index
    %swap3A_893 = tpu.vector_load %arg7[%swap3A_891, %swap3A_892] {strides = array<i32>} : memref<1x512xi32, #tpu.memory_space<vmem>>, vector<1x16xi32>,
    %swap3A_894 = vector.shape_cast %swap3A_893 : vector<1x16xi32> to vector<16xi32>
    %swap3A_895 = vector.shape_cast %min3A_889 : vector<16xi32> to vector<1x16xi32>
    tpu.vector_store %arg7[%swap3A_891, %swap3A_892], %swap3A_895 {strides = array<i32>} : memref<1x512xi32, #tpu.memory_space<vmem>>, vector<1x16xi32>,
    %get3A_896 = arith.constant 0 : i32
    %get3A_897 = arith.index_cast %get3A_896 : i32 to index
    %get3A_898 = arith.constant 416 : index
    %get3A_899 = tpu.vector_load %arg7[%get3A_897, %get3A_898] {strides = array<i32>} : memref<1x512xi32, #tpu.memory_space<vmem>>, vector<1x16xi32>,
    %get3A_900 = vector.shape_cast %get3A_899 : vector<1x16xi32> to vector<16xi32>
    %max3A_901 = arith.constant 0 : i32
    %max3A_902 = vector.broadcast %max3A_901 : i32 to vector<16xi32>
    %max3A_903 = arith.maxsi %get3A_900, %max3A_902 : vector<16xi32>
    %min3A_904 = arith.constant 16383 : i32
    %min3A_905 = vector.broadcast %min3A_904 : i32 to vector<16xi32>
    %min3A_906 = arith.minsi %max3A_903, %min3A_905 : vector<16xi32>
    %swap3A_907 = arith.constant 0 : i32
    %swap3A_908 = arith.index_cast %swap3A_907 : i32 to index
    %swap3A_909 = arith.constant 416 : index
    %swap3A_910 = tpu.vector_load %arg7[%swap3A_908, %swap3A_909] {strides = array<i32>} : memref<1x512xi32, #tpu.memory_space<vmem>>, vector<1x16xi32>,
    %swap3A_911 = vector.shape_cast %swap3A_910 : vector<1x16xi32> to vector<16xi32>
    %swap3A_912 = vector.shape_cast %min3A_906 : vector<16xi32> to vector<1x16xi32>
    tpu.vector_store %arg7[%swap3A_908, %swap3A_909], %swap3A_912 {strides = array<i32>} : memref<1x512xi32, #tpu.memory_space<vmem>>, vector<1x16xi32>,
    %get3A_913 = arith.constant 0 : i32
    %get3A_914 = arith.index_cast %get3A_913 : i32 to index
    %get3A_915 = arith.constant 432 : index
    %get3A_916 = tpu.vector_load %arg7[%get3A_914, %get3A_915] {strides = array<i32>} : memref<1x512xi32, #tpu.memory_space<vmem>>, vector<1x16xi32>,
    %get3A_917 = vector.shape_cast %get3A_916 : vector<1x16xi32> to vector<16xi32>
    %max3A_918 = arith.constant 0 : i32
    %max3A_919 = vector.broadcast %max3A_918 : i32 to vector<16xi32>
    %max3A_920 = arith.maxsi %get3A_917, %max3A_919 : vector<16xi32>
    %min3A_921 = arith.constant 16383 : i32
    %min3A_922 = vector.broadcast %min3A_921 : i32 to vector<16xi32>
    %min3A_923 = arith.minsi %max3A_920, %min3A_922 : vector<16xi32>
    %swap3A_924 = arith.constant 0 : i32
    %swap3A_925 = arith.index_cast %swap3A_924 : i32 to index
    %swap3A_926 = arith.constant 432 : index
    %swap3A_927 = tpu.vector_load %arg7[%swap3A_925, %swap3A_926] {strides = array<i32>} : memref<1x512xi32, #tpu.memory_space<vmem>>, vector<1x16xi32>,
    %swap3A_928 = vector.shape_cast %swap3A_927 : vector<1x16xi32> to vector<16xi32>
    %swap3A_929 = vector.shape_cast %min3A_923 : vector<16xi32> to vector<1x16xi32>
    tpu.vector_store %arg7[%swap3A_925, %swap3A_926], %swap3A_929 {strides = array<i32>} : memref<1x512xi32, #tpu.memory_space<vmem>>, vector<1x16xi32>,
    %get3A_930 = arith.constant 0 : i32
    %get3A_931 = arith.index_cast %get3A_930 : i32 to index
    %get3A_932 = arith.constant 448 : index
    %get3A_933 = tpu.vector_load %arg7[%get3A_931, %get3A_932] {strides = array<i32>} : memref<1x512xi32, #tpu.memory_space<vmem>>, vector<1x16xi32>,
    %get3A_934 = vector.shape_cast %get3A_933 : vector<1x16xi32> to vector<16xi32>
    %max3A_935 = arith.constant 0 : i32
    %max3A_936 = vector.broadcast %max3A_935 : i32 to vector<16xi32>
    %max3A_937 = arith.maxsi %get3A_934, %max3A_936 : vector<16xi32>
    %min3A_938 = arith.constant 16383 : i32
    %min3A_939 = vector.broadcast %min3A_938 : i32 to vector<16xi32>
    %min3A_940 = arith.minsi %max3A_937, %min3A_939 : vector<16xi32>
    %swap3A_941 = arith.constant 0 : i32
    %swap3A_942 = arith.index_cast %swap3A_941 : i32 to index
    %swap3A_943 = arith.constant 448 : index
    %swap3A_944 = tpu.vector_load %arg7[%swap3A_942, %swap3A_943] {strides = array<i32>} : memref<1x512xi32, #tpu.memory_space<vmem>>, vector<1x16xi32>,
    %swap3A_945 = vector.shape_cast %swap3A_944 : vector<1x16xi32> to vector<16xi32>
    %swap3A_946 = vector.shape_cast %min3A_940 : vector<16xi32> to vector<1x16xi32>
    tpu.vector_store %arg7[%swap3A_942, %swap3A_943], %swap3A_946 {strides = array<i32>} : memref<1x512xi32, #tpu.memory_space<vmem>>, vector<1x16xi32>,
    %get3A_947 = arith.constant 0 : i32
    %get3A_948 = arith.index_cast %get3A_947 : i32 to index
    %get3A_949 = arith.constant 464 : index
    %get3A_950 = tpu.vector_load %arg7[%get3A_948, %get3A_949] {strides = array<i32>} : memref<1x512xi32, #tpu.memory_space<vmem>>, vector<1x16xi32>,
    %get3A_951 = vector.shape_cast %get3A_950 : vector<1x16xi32> to vector<16xi32>
    %max3A_952 = arith.constant 0 : i32
    %max3A_953 = vector.broadcast %max3A_952 : i32 to vector<16xi32>
    %max3A_954 = arith.maxsi %get3A_951, %max3A_953 : vector<16xi32>
    %min3A_955 = arith.constant 16383 : i32
    %min3A_956 = vector.broadcast %min3A_955 : i32 to vector<16xi32>
    %min3A_957 = arith.minsi %max3A_954, %min3A_956 : vector<16xi32>
    %swap3A_958 = arith.constant 0 : i32
    %swap3A_959 = arith.index_cast %swap3A_958 : i32 to index
    %swap3A_960 = arith.constant 464 : index
    %swap3A_961 = tpu.vector_load %arg7[%swap3A_959, %swap3A_960] {strides = array<i32>} : memref<1x512xi32, #tpu.memory_space<vmem>>, vector<1x16xi32>,
    %swap3A_962 = vector.shape_cast %swap3A_961 : vector<1x16xi32> to vector<16xi32>
    %swap3A_963 = vector.shape_cast %min3A_957 : vector<16xi32> to vector<1x16xi32>
    tpu.vector_store %arg7[%swap3A_959, %swap3A_960], %swap3A_963 {strides = array<i32>} : memref<1x512xi32, #tpu.memory_space<vmem>>, vector<1x16xi32>,
    %get3A_964 = arith.constant 0 : i32
    %get3A_965 = arith.index_cast %get3A_964 : i32 to index
    %get3A_966 = arith.constant 480 : index
    %get3A_967 = tpu.vector_load %arg7[%get3A_965, %get3A_966] {strides = array<i32>} : memref<1x512xi32, #tpu.memory_space<vmem>>, vector<1x16xi32>,
    %get3A_968 = vector.shape_cast %get3A_967 : vector<1x16xi32> to vector<16xi32>
    %max3A_969 = arith.constant 0 : i32
    %max3A_970 = vector.broadcast %max3A_969 : i32 to vector<16xi32>
    %max3A_971 = arith.maxsi %get3A_968, %max3A_970 : vector<16xi32>
    %min3A_972 = arith.constant 16383 : i32
    %min3A_973 = vector.broadcast %min3A_972 : i32 to vector<16xi32>
    %min3A_974 = arith.minsi %max3A_971, %min3A_973 : vector<16xi32>
    %swap3A_975 = arith.constant 0 : i32
    %swap3A_976 = arith.index_cast %swap3A_975 : i32 to index
    %swap3A_977 = arith.constant 480 : index
    %swap3A_978 = tpu.vector_load %arg7[%swap3A_976, %swap3A_977] {strides = array<i32>} : memref<1x512xi32, #tpu.memory_space<vmem>>, vector<1x16xi32>,
    %swap3A_979 = vector.shape_cast %swap3A_978 : vector<1x16xi32> to vector<16xi32>
    %swap3A_980 = vector.shape_cast %min3A_974 : vector<16xi32> to vector<1x16xi32>
    tpu.vector_store %arg7[%swap3A_976, %swap3A_977], %swap3A_980 {strides = array<i32>} : memref<1x512xi32, #tpu.memory_space<vmem>>, vector<1x16xi32>,
    %get3A_981 = arith.constant 0 : i32
    %get3A_982 = arith.index_cast %get3A_981 : i32 to index
    %get3A_983 = arith.constant 496 : index
    %get3A_984 = tpu.vector_load %arg7[%get3A_982, %get3A_983] {strides = array<i32>} : memref<1x512xi32, #tpu.memory_space<vmem>>, vector<1x16xi32>,
    %get3A_985 = vector.shape_cast %get3A_984 : vector<1x16xi32> to vector<16xi32>
    %max3A_986 = arith.constant 0 : i32
    %max3A_987 = vector.broadcast %max3A_986 : i32 to vector<16xi32>
    %max3A_988 = arith.maxsi %get3A_985, %max3A_987 : vector<16xi32>
    %min3A_989 = arith.constant 16383 : i32
    %min3A_990 = vector.broadcast %min3A_989 : i32 to vector<16xi32>
    %min3A_991 = arith.minsi %max3A_988, %min3A_990 : vector<16xi32>
    %swap3A_992 = arith.constant 0 : i32
    %swap3A_993 = arith.index_cast %swap3A_992 : i32 to index
    %swap3A_994 = arith.constant 496 : index
    %swap3A_995 = tpu.vector_load %arg7[%swap3A_993, %swap3A_994] {strides = array<i32>} : memref<1x512xi32, #tpu.memory_space<vmem>>, vector<1x16xi32>,
    %swap3A_996 = vector.shape_cast %swap3A_995 : vector<1x16xi32> to vector<16xi32>
    %swap3A_997 = vector.shape_cast %min3A_991 : vector<16xi32> to vector<1x16xi32>
    tpu.vector_store %arg7[%swap3A_993, %swap3A_994], %swap3A_997 {strides = array<i32>} : memref<1x512xi32, #tpu.memory_space<vmem>>, vector<1x16xi32>,
    %dma_start3A_998 = arith.constant 0 : i32
    %dma_start3A_999 = arith.constant 0 : i32
    %dma_start3A_1000 = arith.constant 0 : i32
    %dma_start3A_1001 = arith.constant 0 : i32
    %dma_start3A_1002 = tpu.memref_slice %arg8[%dma_start3A_999, %dma_start3A_1000, %dma_start3A_1001] : memref<1x512x128xf32, #tpu.memory_space<vmem>> -> memref<1x512x128xf32, #tpu.memory_space<vmem>>
    %dma_start3A_1003 = tpu.memref_squeeze %dma_start3A_1002 : memref<1x512x128xf32, #tpu.memory_space<vmem>> -> memref<512x128xf32, #tpu.memory_space<vmem>>
    %dma_start3A_1004 = arith.constant 0 : i32
    %dma_start3A_1005 = tpu.memref_slice %arg7[%dma_start3A_998, %dma_start3A_1004] : memref<1x512xi32, #tpu.memory_space<vmem>> -> memref<1x512xi32, #tpu.memory_space<vmem>>
    %dma_start3A_1006 = tpu.memref_squeeze %dma_start3A_1005 : memref<1x512xi32, #tpu.memory_space<vmem>> -> memref<512xi32, #tpu.memory_space<vmem>>
    %dma_start3A_1007 = arith.constant 0 : i32
    %dma_start3A_1008 = arith.constant 0 : i32
    %dma_start3A_1009 = tpu.memref_slice %arg3[%dma_start3A_1007, %dma_start3A_1008] : memref<16384x128xf32, #tpu.memory_space<hbm>> -> memref<16384x128xf32, #tpu.memory_space<hbm>>
    tpu.enqueue_indirect_dma source(%dma_start3A_1009 : memref<16384x128xf32, #tpu.memory_space<hbm>>) target(%dma_start3A_1003 : memref<512x128xf32, #tpu.memory_space<vmem>>) offsets(%dma_start3A_1006 : memref<512xi32, #tpu.memory_space<vmem>>) semaphore(%arg10 : memref<!tpu.dma_semaphore, #tpu.memory_space<semaphore_mem>>)
    %dma_wait3A_1010 = arith.constant 0 : i32
    %dma_wait3A_1011 = arith.constant 0 : i32
    %dma_wait3A_1012 = arith.constant 0 : i32
    %dma_wait3A_1013 = arith.constant 0 : i32
    %dma_wait3A_1014 = tpu.memref_slice %arg8[%dma_wait3A_1011, %dma_wait3A_1012, %dma_wait3A_1013] : memref<1x512x128xf32, #tpu.memory_space<vmem>> -> memref<1x512x128xf32, #tpu.memory_space<vmem>>
    %dma_wait3A_1015 = tpu.memref_squeeze %dma_wait3A_1014 : memref<1x512x128xf32, #tpu.memory_space<vmem>> -> memref<512x128xf32, #tpu.memory_space<vmem>>
    %dma_wait3A_1016 = arith.constant 0 : i32
    %dma_wait3A_1017 = tpu.memref_slice %arg7[%dma_wait3A_1010, %dma_wait3A_1016] : memref<1x512xi32, #tpu.memory_space<vmem>> -> memref<1x512xi32, #tpu.memory_space<vmem>>
    %dma_wait3A_1018 = tpu.memref_squeeze %dma_wait3A_1017 : memref<1x512xi32, #tpu.memory_space<vmem>> -> memref<512xi32, #tpu.memory_space<vmem>>
    %dma_wait3A_1019 = arith.constant 0 : i32
    %dma_wait3A_1020 = arith.constant 0 : i32
    %dma_wait3A_1021 = tpu.memref_slice %arg3[%dma_wait3A_1019, %dma_wait3A_1020] : memref<16384x128xf32, #tpu.memory_space<hbm>> -> memref<16384x128xf32, #tpu.memory_space<hbm>>
    tpu.wait_indirect_dma semaphore(%arg10 : memref<!tpu.dma_semaphore, #tpu.memory_space<semaphore_mem>>) src(%dma_wait3A_1021 : memref<16384x128xf32, #tpu.memory_space<hbm>>) dst(%dma_wait3A_1015 : memref<512x128xf32, #tpu.memory_space<vmem>>)
    %add3A_1022 = arith.constant 0 : i32
    %add3A_1023 = arith.addi %mul3A_2, %add3A_1022 : i32
    %dma_start3A_1024 = arith.constant 0 : i32
    %dma_start3A_1025 = arith.constant 0 : i32
    %dma_start3A_1026 = arith.constant 0 : i32
    %dma_start3A_1027 = tpu.memref_slice %arg8[%dma_start3A_1024, %dma_start3A_1025, %dma_start3A_1026] : memref<1x512x128xf32, #tpu.memory_space<vmem>> -> memref<1x512x128xf32, #tpu.memory_space<vmem>>
    %dma_start3A_1028 = tpu.memref_squeeze %dma_start3A_1027 : memref<1x512x128xf32, #tpu.memory_space<vmem>> -> memref<512x128xf32, #tpu.memory_space<vmem>>
    %dma_start3A_1029 = arith.constant 0 : i32
    %dma_start3A_1030 = tpu.memref_slice %arg4[%add3A_1023, %dma_start3A_1029] : memref<16384x128xf32, #tpu.memory_space<hbm>> -> memref<512x128xf32, #tpu.memory_space<hbm>>
    %dma_start3A_1031 = arith.constant 0 : i32
    %dma_start3A_1032 = tpu.memref_slice %arg4[%add3A_1023, %dma_start3A_1031] : memref<16384x128xf32, #tpu.memory_space<hbm>> -> memref<512x128xf32, #tpu.memory_space<hbm>>
    %dma_start3A_1033 = arith.constant 0 : i32
    %dma_start3A_1034 = arith.constant 0 : i32
    %dma_start3A_1035 = tpu.memref_slice %arg8[%dma_start3A_1024, %dma_start3A_1033, %dma_start3A_1034] : memref<1x512x128xf32, #tpu.memory_space<vmem>> -> memref<1x512x128xf32, #tpu.memory_space<vmem>>
    %dma_start3A_1036 = tpu.memref_squeeze %dma_start3A_1035 : memref<1x512x128xf32, #tpu.memory_space<vmem>> -> memref<512x128xf32, #tpu.memory_space<vmem>>
    tpu.enqueue_dma source(%dma_start3A_1036 : memref<512x128xf32, #tpu.memory_space<vmem>>) target(%dma_start3A_1032 : memref<512x128xf32, #tpu.memory_space<hbm>>) target_semaphore(%arg10 : memref<!tpu.dma_semaphore, #tpu.memory_space<semaphore_mem>>)
    %dma_wait3A_1037 = arith.constant 0 : i32
    %dma_wait3A_1038 = arith.constant 0 : i32
    %dma_wait3A_1039 = arith.constant 0 : i32
    %dma_wait3A_1040 = tpu.memref_slice %arg8[%dma_wait3A_1037, %dma_wait3A_1038, %dma_wait3A_1039] : memref<1x512x128xf32, #tpu.memory_space<vmem>> -> memref<1x512x128xf32, #tpu.memory_space<vmem>>
    %dma_wait3A_1041 = tpu.memref_squeeze %dma_wait3A_1040 : memref<1x512x128xf32, #tpu.memory_space<vmem>> -> memref<512x128xf32, #tpu.memory_space<vmem>>
    %dma_wait3A_1042 = arith.constant 0 : i32
    %dma_wait3A_1043 = tpu.memref_slice %arg4[%add3A_1023, %dma_wait3A_1042] : memref<16384x128xf32, #tpu.memory_space<hbm>> -> memref<512x128xf32, #tpu.memory_space<hbm>>
    %dma_wait3A_1044 = arith.constant 0 : i32
    %dma_wait3A_1045 = tpu.memref_slice %arg4[%add3A_1023, %dma_wait3A_1044] : memref<16384x128xf32, #tpu.memory_space<hbm>> -> memref<512x128xf32, #tpu.memory_space<hbm>>
    %dma_wait3A_1046 = arith.constant 0 : i32
    %dma_wait3A_1047 = arith.constant 0 : i32
    %dma_wait3A_1048 = tpu.memref_slice %arg8[%dma_wait3A_1037, %dma_wait3A_1046, %dma_wait3A_1047] : memref<1x512x128xf32, #tpu.memory_space<vmem>> -> memref<1x512x128xf32, #tpu.memory_space<vmem>>
    %dma_wait3A_1049 = tpu.memref_squeeze %dma_wait3A_1048 : memref<1x512x128xf32, #tpu.memory_space<vmem>> -> memref<512x128xf32, #tpu.memory_space<vmem>>
    tpu.wait_dma2 semaphore(%arg10 : memref<!tpu.dma_semaphore, #tpu.memory_space<semaphore_mem>>) src(%dma_wait3A_1049 : memref<512x128xf32, #tpu.memory_space<vmem>>) dst(%dma_wait3A_1045 : memref<512x128xf32, #tpu.memory_space<hbm>>)
    return
  }
}

module attributes {stable_mosaic.version = 14 : i64} {
  func.func @_dense_body(%arg0: i32, %arg1: memref<4096x100xf32, #tpu.memory_space<vmem>>, %arg2: memref<4096x1xi32, #tpu.memory_space<vmem>>, %arg3: memref<4096x100xbf16, #tpu.memory_space<vmem>>, %arg4: memref<4096x128xf32, #tpu.memory_space<vmem>>, %arg5: memref<1x1xf32, #tpu.memory_space<smem>>) attributes {dimension_semantics = [#tpu.dimension_semantics<arbitrary>], iteration_bounds = array<i64: 4>, scalar_prefetch = 0 : i64, scratch_operands = 0 : i64, tpu.core_type = #tpu.core_type<tc>, window_params = [{transform_indices = @transform_0, window_bounds = array<i64: 4096, 100>}, {transform_indices = @transform_1, window_bounds = array<i64: 4096, 1>}, {transform_indices = @transform_2, window_bounds = array<i64: 4096, 100>}, {transform_indices = @transform_3, window_bounds = array<i64: 4096, 128>}, {transform_indices = @transform_4, window_bounds = array<i64: 1, 1>}]} {
    %get3A = arith.constant 0 : index
    %get3A_0 = arith.constant 0 : index
    %get3A_1 = vector.load %arg1[%get3A, %get3A_0] : memref<4096x100xf32, #tpu.memory_space<vmem>>, vector<4096x100xf32>
    %exp3A = math.exp %get3A_1 : vector<4096x100xf32>
    %reduce_sum3A = arith.constant dense<0.000000e+00> : vector<4096xf32>
    %reduce_sum3A_2 = vector.multi_reduction <add>, %exp3A, %reduce_sum3A [1] : vector<4096x100xf32> to vector<4096xf32>
    %broadcast_in_dim3A = vector.shape_cast %reduce_sum3A_2 : vector<4096xf32> to vector<4096x1xf32>
    %div3A = vector.broadcast %broadcast_in_dim3A : vector<4096x1xf32> to vector<4096x100xf32>
    %div3A_3 = arith.divf %exp3A, %div3A : vector<4096x100xf32>
    %jit3A = arith.constant 9.99999974E-5 : f32
    %jit3A_4 = arith.constant 0.999899983 : f32
    %max3A = vector.broadcast %jit3A : f32 to vector<4096x100xf32>
    %max3A_5 = arith.maximumf %max3A, %div3A_3 : vector<4096x100xf32>
    %min3A = vector.broadcast %jit3A_4 : f32 to vector<4096x100xf32>
    %min3A_6 = arith.minimumf %min3A, %max3A_5 : vector<4096x100xf32>
    %reduce_sum3A_7 = arith.constant dense<0.000000e+00> : vector<4096xf32>
    %reduce_sum3A_8 = vector.multi_reduction <add>, %min3A_6, %reduce_sum3A_7 [1] : vector<4096x100xf32> to vector<4096xf32>
    %broadcast_in_dim3A_9 = vector.shape_cast %reduce_sum3A_8 : vector<4096xf32> to vector<4096x1xf32>
    %convert_element_type3A = arith.truncf %min3A_6 : vector<4096x100xf32> to vector<4096x100xbf16>
    %swap3A = arith.constant 0 : index
    %swap3A_10 = arith.constant 0 : index
    %swap3A_11 = vector.load %arg3[%swap3A, %swap3A_10] : memref<4096x100xbf16, #tpu.memory_space<vmem>>, vector<4096x100xbf16>
    tpu.vector_store %arg3[%swap3A, %swap3A_10], %convert_element_type3A {strides = array<i32>} : memref<4096x100xbf16, #tpu.memory_space<vmem>>, vector<4096x100xbf16>,
    %broadcast_in_dim3A_12 = arith.constant 0.000000e+00 : f32
    %broadcast_in_dim3A_13 = vector.broadcast %broadcast_in_dim3A_12 : f32 to vector<4096x28xf32>
    %div3A_14 = vector.broadcast %broadcast_in_dim3A_9 : vector<4096x1xf32> to vector<4096x100xf32>
    %div3A_15 = arith.divf %min3A_6, %div3A_14 : vector<4096x100xf32>
    %concatenate3A = tpu.concatenate %div3A_15, %broadcast_in_dim3A_13 in 1 : vector<4096x100xf32>, vector<4096x28xf32> -> vector<4096x128xf32>
    %swap3A_16 = arith.constant 0 : index
    %swap3A_17 = arith.constant 0 : index
    %swap3A_18 = vector.load %arg4[%swap3A_16, %swap3A_17] : memref<4096x128xf32, #tpu.memory_space<vmem>>, vector<4096x128xf32>
    tpu.vector_store %arg4[%swap3A_16, %swap3A_17], %concatenate3A {strides = array<i32>} : memref<4096x128xf32, #tpu.memory_space<vmem>>, vector<4096x128xf32>,
    %iota3A = tpu.iota {dimensions = array<i32: 1>} : vector<4096x100xi32>
    %get3A_19 = arith.constant 0 : index
    %get3A_20 = arith.constant 0 : index
    %get3A_21 = vector.load %arg2[%get3A_19, %get3A_20] : memref<4096x1xi32, #tpu.memory_space<vmem>>, vector<4096x1xi32>
    %eq3A = vector.broadcast %get3A_21 : vector<4096x1xi32> to vector<4096x100xi32>
    %eq3A_22 = arith.cmpi eq, %iota3A, %eq3A : vector<4096x100xi32>
    %jit3A_23 = arith.constant 0.000000e+00 : f32
    %broadcast_in_dim3A_24 = vector.broadcast %jit3A_23 : f32 to vector<4096x100xf32>
    %select_n3A = arith.select %eq3A_22, %get3A_1, %broadcast_in_dim3A_24 : vector<4096x100xi1>, vector<4096x100xf32>
    %reduce_sum3A_25 = arith.constant dense<0.000000e+00> : vector<4096xf32>
    %reduce_sum3A_26 = vector.multi_reduction <add>, %select_n3A, %reduce_sum3A_25 [1] : vector<4096x100xf32> to vector<4096xf32>
    %squeeze3A = vector.shape_cast %broadcast_in_dim3A : vector<4096x1xf32> to vector<4096xf32>
    %log3A = math.log %squeeze3A : vector<4096xf32>
    %sub3A = arith.subf %log3A, %reduce_sum3A_26 : vector<4096xf32>
    %eq3A_27 = arith.constant 0 : i32
    %eq3A_28 = arith.cmpi eq, %arg0, %eq3A_27 : i32
    %convert_element_type3A_29 = arith.extui %eq3A_28 : i1 to i32
    %cond3A = arith.constant 0 : i32
    %cond3A_30 = arith.cmpi ne, %convert_element_type3A_29, %cond3A : i32
    scf.if %cond3A_30 {
      %swap3A_42 = arith.constant 0.000000e+00 : f32
      %swap3A_43 = arith.constant 0 : index
      %swap3A_44 = arith.constant 0 : index
      %swap3A_45 = memref.load %arg5[%swap3A_43, %swap3A_44] : memref<1x1xf32, #tpu.memory_space<smem>>
      memref.store %swap3A_42, %arg5[%swap3A_43, %swap3A_44] : memref<1x1xf32, #tpu.memory_space<smem>>
    } else {
    }
    %get3A_31 = arith.constant 0 : index
    %get3A_32 = arith.constant 0 : index
    %get3A_33 = memref.load %arg5[%get3A_31, %get3A_32] : memref<1x1xf32, #tpu.memory_space<smem>>
    %reduce_sum3A_34 = vector.shape_cast %sub3A : vector<4096xf32> to vector<1x4096xf32>
    %reduce_sum3A_35 = arith.constant dense<0.000000e+00> : vector<1xf32>
    %reduce_sum3A_36 = vector.multi_reduction <add>, %reduce_sum3A_34, %reduce_sum3A_35 [1] : vector<1x4096xf32> to vector<1xf32>
    %reduce_sum3A_37 = vector.shape_cast %reduce_sum3A_36 : vector<1xf32> to vector<1x1xf32>
    %reduce_sum3A_38 = vector.extract %reduce_sum3A_37[0, 0] : f32 from vector<1x1xf32>
    %add3A = arith.addf %get3A_33, %reduce_sum3A_38 : f32
    %swap3A_39 = arith.constant 0 : index
    %swap3A_40 = arith.constant 0 : index
    %swap3A_41 = memref.load %arg5[%swap3A_39, %swap3A_40] : memref<1x1xf32, #tpu.memory_space<smem>>
    memref.store %add3A, %arg5[%swap3A_39, %swap3A_40] : memref<1x1xf32, #tpu.memory_space<smem>>
    return
  }
  func.func @transform_0(%arg0: i32) -> (i32, i32) {
    %c0_i32 = arith.constant 0 : i32
    %c0_i32_0 = arith.constant 0 : i32
    return %arg0, %c0_i32 : i32, i32
  }
  func.func @transform_1(%arg0: i32) -> (i32, i32) {
    %c0_i32 = arith.constant 0 : i32
    %c0_i32_0 = arith.constant 0 : i32
    return %arg0, %c0_i32 : i32, i32
  }
  func.func @transform_2(%arg0: i32) -> (i32, i32) {
    %c0_i32 = arith.constant 0 : i32
    %c0_i32_0 = arith.constant 0 : i32
    return %arg0, %c0_i32 : i32, i32
  }
  func.func @transform_3(%arg0: i32) -> (i32, i32) {
    %c0_i32 = arith.constant 0 : i32
    %c0_i32_0 = arith.constant 0 : i32
    return %arg0, %c0_i32 : i32, i32
  }
  func.func @transform_4(%arg0: i32) -> (i32, i32) {
    %c0_i32 = arith.constant 0 : i32
    %c0_i32_0 = arith.constant 0 : i32
    %c0_i32_1 = arith.constant 0 : i32
    return %c0_i32, %c0_i32_0 : i32, i32
  }
}

module attributes {stable_mosaic.version = 14 : i64} {
  func.func @_loss_body(%arg0: i32, %arg1: memref<4096x100xbf16, #tpu.memory_space<vmem>>, %arg2: memref<4096x128xf32, #tpu.memory_space<vmem>>, %arg3: memref<1x1xf32, #tpu.memory_space<smem>>, %arg4: memref<1x1xf32, #tpu.memory_space<smem>>) attributes {dimension_semantics = [#tpu.dimension_semantics<arbitrary>], iteration_bounds = array<i64: 4>, scalar_prefetch = 0 : i64, scratch_operands = 0 : i64, tpu.core_type = #tpu.core_type<tc>, window_params = [{transform_indices = @transform_0, window_bounds = array<i64: 4096, 100>}, {transform_indices = @transform_1, window_bounds = array<i64: 4096, 128>}, {transform_indices = @transform_2, window_bounds = array<i64: 1, 1>}, {transform_indices = @transform_3, window_bounds = array<i64: 1, 1>}]} {
    %get3A = arith.constant 0 : index
    %get3A_0 = arith.constant 0 : index
    %get3A_1 = vector.load %arg1[%get3A, %get3A_0] : memref<4096x100xbf16, #tpu.memory_space<vmem>>, vector<4096x100xbf16>
    %convert_element_type3A = arith.extf %get3A_1 : vector<4096x100xbf16> to vector<4096x100xf32>
    %get3A_2 = arith.constant 0 : index
    %get3A_3 = arith.constant 0 : index
    %get3A_4 = vector.load %arg2[%get3A_2, %get3A_3] : memref<4096x128xf32, #tpu.memory_space<vmem>>, vector<4096x100xf32>
    %mul3A = arith.mulf %convert_element_type3A, %get3A_4 : vector<4096x100xf32>
    %reduce_sum3A = arith.constant dense<0.000000e+00> : vector<4096xf32>
    %reduce_sum3A_5 = vector.multi_reduction <add>, %mul3A, %reduce_sum3A [1] : vector<4096x100xf32> to vector<4096xf32>
    %mul3A_6 = arith.constant 3.000000e-01 : f32
    %mul3A_7 = vector.broadcast %mul3A_6 : f32 to vector<4096xf32>
    %mul3A_8 = arith.mulf %mul3A_7, %reduce_sum3A_5 : vector<4096xf32>
    %eq3A = arith.constant 0 : i32
    %eq3A_9 = arith.cmpi eq, %arg0, %eq3A : i32
    %convert_element_type3A_10 = arith.extui %eq3A_9 : i1 to i32
    %cond3A = arith.constant 0 : i32
    %cond3A_11 = arith.cmpi ne, %convert_element_type3A_10, %cond3A : i32
    scf.if %cond3A_11 {
      %get3A_26 = arith.constant 0 : index
      %get3A_27 = arith.constant 0 : index
      %get3A_28 = memref.load %arg3[%get3A_26, %get3A_27] : memref<1x1xf32, #tpu.memory_space<smem>>
      %div3A = arith.constant 1.638400e+04 : f32
      %div3A_29 = arith.divf %get3A_28, %div3A : f32
      %swap3A_30 = arith.constant 0 : index
      %swap3A_31 = arith.constant 0 : index
      %swap3A_32 = memref.load %arg4[%swap3A_30, %swap3A_31] : memref<1x1xf32, #tpu.memory_space<smem>>
      memref.store %div3A_29, %arg4[%swap3A_30, %swap3A_31] : memref<1x1xf32, #tpu.memory_space<smem>>
    } else {
    }
    %get3A_12 = arith.constant 0 : index
    %get3A_13 = arith.constant 0 : index
    %get3A_14 = memref.load %arg4[%get3A_12, %get3A_13] : memref<1x1xf32, #tpu.memory_space<smem>>
    %sub3A = arith.constant 1.000000e+00 : f32
    %sub3A_15 = vector.broadcast %sub3A : f32 to vector<4096xf32>
    %sub3A_16 = arith.subf %sub3A_15, %mul3A_8 : vector<4096xf32>
    %log3A = math.log %sub3A_16 : vector<4096xf32>
    %reduce_sum3A_17 = vector.shape_cast %log3A : vector<4096xf32> to vector<1x4096xf32>
    %reduce_sum3A_18 = arith.constant dense<0.000000e+00> : vector<1xf32>
    %reduce_sum3A_19 = vector.multi_reduction <add>, %reduce_sum3A_17, %reduce_sum3A_18 [1] : vector<1x4096xf32> to vector<1xf32>
    %reduce_sum3A_20 = vector.shape_cast %reduce_sum3A_19 : vector<1xf32> to vector<1x1xf32>
    %reduce_sum3A_21 = vector.extract %reduce_sum3A_20[0, 0] : f32 from vector<1x1xf32>
    %mul3A_22 = arith.constant 1.83105469E-4 : f32
    %mul3A_23 = arith.mulf %mul3A_22, %reduce_sum3A_21 : f32
    %add3A = arith.addf %get3A_14, %mul3A_23 : f32
    %swap3A = arith.constant 0 : index
    %swap3A_24 = arith.constant 0 : index
    %swap3A_25 = memref.load %arg4[%swap3A, %swap3A_24] : memref<1x1xf32, #tpu.memory_space<smem>>
    memref.store %add3A, %arg4[%swap3A, %swap3A_24] : memref<1x1xf32, #tpu.memory_space<smem>>
    return
  }
  func.func @transform_0(%arg0: i32) -> (i32, i32) {
    %c0_i32 = arith.constant 0 : i32
    %c0_i32_0 = arith.constant 0 : i32
    return %arg0, %c0_i32 : i32, i32
  }
  func.func @transform_1(%arg0: i32) -> (i32, i32) {
    %c0_i32 = arith.constant 0 : i32
    %c0_i32_0 = arith.constant 0 : i32
    return %arg0, %c0_i32 : i32, i32
  }
  func.func @transform_2(%arg0: i32) -> (i32, i32) {
    %c0_i32 = arith.constant 0 : i32
    %c0_i32_0 = arith.constant 0 : i32
    %c0_i32_1 = arith.constant 0 : i32
    return %c0_i32, %c0_i32_0 : i32, i32
  }
  func.func @transform_3(%arg0: i32) -> (i32, i32) {
    %c0_i32 = arith.constant 0 : i32
    %c0_i32_0 = arith.constant 0 : i32
    %c0_i32_1 = arith.constant 0 : i32
    return %c0_i32, %c0_i32_0 : i32, i32
  }
}

</mosaic_0001>

<sc_bundles>
// kernel: kernel.5.cloned.1.call-start
scs
__scs_entry_jumppad:
0x0: {  	(pc) =	sbr.rel $0x88, $3  }
0x1: {  	(tag) =	ssettag $0x0;
	lr =	simm.s32 $0x1  }
0x2: {  	[smem:$0x3F9E] =	sst lr;
	_ =	strace $0xD0000000  }
0x3: {  	_ = 	snop  }
0x4: {  	_ = 	snop  }
0x5: {  	_ = 	snop  }
0x6: {  	_ = 	snop  }
0x7: {  	_ = 	snop  }
__scs_overlays_trampoline_lowered:
0x8: {  	[smem:$0x3FAD] =	sst s0  }
0x9: {  	[smem:$0x3FAE] =	sst s1  }
0xa: {  	[smem:$0x3FAF] =	sst s2  }
0xb: {  	[smem:$0x3FB0] =	sst s3  }
0xc: {  	[smem:$0x3FB1] =	sst s4  }
0xd: {  	[smem:$0x3FB2] =	sst s5  }
0xe: {  	[smem:$0x3FB3] =	sst s6  }
0xf: {  	[smem:$0x3FB4] =	sst s7  }
0x10: {  	[smem:$0x3FB5] =	sst s8  }
0x11: {  	[smem:$0x3FB6] =	sst s9;
	s0 =	simm.s32 @!p0 $0x0  }
0x12: {  	s1 =	sld [smem:$0x3F9C];
	s0 =	simm.s32 @p0 $0x1  }
0x13: {  	[smem:$0x3FB7] =	sst s0;
	s0 =	simm.s32 @!p1 $0x0  }
0x14: {  	s2 =	sld [smem:$0x3F9B];
	s0 =	simm.s32 @p1 $0x1  }
0x15: {  	[smem:$0x3FB8] =	sst s0;
	s0 =	simm.s32 @!p2 $0x0  }
0x16: {  	s3 =	sld [smem:$0x3FDB];
	s0 =	simm.s32 @p2 $0x1  }
0x17: {  	s4 =	simm.s32 $0x1BF5;
	[smem:$0x3FBA] =	sst s0  }
0x18: {  	s0 =	sld [smem:$0x3F9D];
	_ =	swait.ge [sflag:s4], $0x0  }
0x19: {  	s7 =	sld [smem:$0x3F9E]  }
0x1a: {  	s8 =	sadd.s32 $0xFFFFE003, lr  }
0x1b: {  	s9 =	sadd.s32 $0xFFFFFEF7, lr;
	s5 =	simm.s32 $0xFFFFFFFF;
	p2 =	slt.u32 s8, $0xFFFFF086  }
0x1c: {  	p1 =	slt.u32 s9, $0xF7A;
	s5 =	simm.s32 @!p2 $0x0  }
0x1d: {  	s5 =	simm.s32 @p1 $0x1;
	p0 =	seq.s32 s7, s2  }
0x1e: {  	s7 =	smul.u32 @!p0 $0xF7A, s2;
	p2 =	seq.s32 @!p0 s5, $0x0  }
0x1f: {  	s9 =	smul.u32 $0xF7A, s1;
	s8 =	simm.s32 @!p0 $0x1BF5;
	p2 =	por !p2, p0  }
0x20: {  	[sflag:s8] =	ssyncset.s32 @!p0 $0xFFFFF086;
	s6 =	sadd.s32 @!p0 s3, s7;
	s7 =	simm.s32 @!p0 $0x108  }
0x21: {  	s3 =	sadd.s32 s3, s9;
	s6 =	sadd.s32 @!p0 $0x88, s6;
	s7 =	simm.s32 @p2 $0x1082  }
0x22: {  	[simem:s7], [sflag:s8] =	dma.local @!p0 [hbm:s6], $0xF7A  }
0x23: {  	s9 =	sor.u32 $0xD0000000, s2;
	s6 =	simm.s32 $0x108;
	_ =	swait.ge @!p0 [sflag:s8], $0x0  }
0x24: {  	s3 =	sadd.s32 $0x88, s3;
	s6 =	simm.s32 @!p1 $0x1082;
	[sflag:s4] =	ssyncset.s32 $0xFFFFF086  }
0x25: {  	[simem:s6], [sflag:s4] =	dma.local [hbm:s3], $0xF7A  }
0x26: {  	[smem:$0x3F9E] =	sst s1;
	(tag) =	ssettag s2;
	_ =	strace s9  }
0x27: {  	s1 =	sld [smem:$0x3FAE]  }
0x28: {  	s2 =	sld [smem:$0x3FAF]  }
0x29: {  	s4 =	sld [smem:$0x3FB1]  }
0x2a: {  	p0 =	seq.s32 s5, $0x0;
	s5 =	sld [smem:$0x3FB2]  }
0x2b: {  	s6 =	sld [smem:$0x3FB3]  }
0x2c: {  	s7 =	sld [smem:$0x3FB4]  }
0x2d: {  	s3 =	simm.s32 $0x108;
	s8 =	sld [smem:$0x3FB5]  }
0x2e: {  	s3 =	simm.s32 @!p0 $0x1082;
	s9 =	sld [smem:$0x3FB6]  }
0x2f: {  	lr =	sadd.s32 s0, s3;
	s0 =	sld [smem:$0x3FAD]  }
0x30: {  	s3 =	sld [smem:$0x3FB0]  }
0x31: {  	[smem:$0x3FB9] =	sst s10  }
0x32: {  	s10 =	sld [smem:$0x3FB7];
	_ =	sdelay $0x3  }
0x33: {  	p0 =	seq.s32 s10, $0x1;
	s10 =	sld [smem:$0x3FB9];
	_ =	sdelay $0x3  }
0x34: {  	[smem:$0x3FB9] =	sst s10  }
0x35: {  	s10 =	sld [smem:$0x3FB8];
	_ =	sdelay $0x3  }
0x36: {  	p1 =	seq.s32 s10, $0x1;
	s10 =	sld [smem:$0x3FB9];
	_ =	sdelay $0x3  }
0x37: {  	[smem:$0x3FB9] =	sst s10  }
0x38: {  	s10 =	sld [smem:$0x3FBA]  }
0x39: {  	_ = 	snop;
	(pc) =	sbr.ind lr, $3  }
0x3a: {  	_ = 	snop  }
0x3b: {  	_ = 	snop  }
0x3c: {  	p2 =	seq.s32 s10, $0x1;
	s10 =	sld [smem:$0x3FB9]  }
0x3d: {  	_ =	shalt  }
0x3e: {  	_ =	shalt  }
0x3f: {  	_ =	shalt  }
0x40: {  	_ =	shalt  }
0x41: {  	_ =	shalt  }
0x42: {  	_ =	shalt  }
0x43: {  	_ =	shalt  }
0x44: {  	_ =	shalt  }
0x45: {  	_ =	shalt  }
0x46: {  	_ =	shalt  }
0x47: {  	_ =	shalt  }
0x48: {  	_ =	shalt  }
0x49: {  	_ =	shalt  }
0x4a: {  	_ =	shalt  }
0x4b: {  	_ =	shalt  }
0x4c: {  	_ =	shalt  }
0x4d: {  	_ =	shalt  }
0x4e: {  	_ =	shalt  }
0x4f: {  	_ =	shalt  }
0x50: {  	_ =	shalt  }
0x51: {  	_ =	shalt  }
0x52: {  	_ =	shalt  }
0x53: {  	_ =	shalt  }
0x54: {  	_ =	shalt  }
0x55: {  	_ =	shalt  }
0x56: {  	_ =	shalt  }
0x57: {  	_ =	shalt  }
0x58: {  	_ =	shalt  }
0x59: {  	_ =	shalt  }
0x5a: {  	_ =	shalt  }
0x5b: {  	_ =	shalt  }
0x5c: {  	_ =	shalt  }
0x5d: {  	_ =	shalt  }
0x5e: {  	_ =	shalt  }
0x5f: {  	_ =	shalt  }
0x60: {  	_ =	shalt  }
0x61: {  	_ =	shalt  }
0x62: {  	_ =	shalt  }
0x63: {  	_ =	shalt  }
0x64: {  	_ =	shalt  }
0x65: {  	_ =	shalt  }
0x66: {  	_ =	shalt  }
0x67: {  	_ =	shalt  }
0x68: {  	_ =	shalt  }
0x69: {  	_ =	shalt  }
0x6a: {  	_ =	shalt  }
0x6b: {  	_ =	shalt  }
0x6c: {  	_ =	shalt  }
0x6d: {  	_ =	shalt  }
0x6e: {  	_ =	shalt  }
0x6f: {  	_ =	shalt  }
0x70: {  	_ =	shalt  }
0x71: {  	_ =	shalt  }
0x72: {  	_ =	shalt  }
0x73: {  	_ =	shalt  }
0x74: {  	_ =	shalt  }
0x75: {  	_ =	shalt  }
0x76: {  	_ =	shalt  }
0x77: {  	_ =	shalt  }
0x78: {  	_ =	shalt  }
0x79: {  	_ =	shalt  }
0x7a: {  	_ =	shalt  }
0x7b: {  	_ =	shalt  }
0x7c: {  	_ =	shalt  }
0x7d: {  	_ =	shalt  }
0x7e: {  	_ =	shalt  }
0x7f: {  	_ =	shalt  }
0x80: {  	_ =	shalt  }
0x81: {  	_ =	shalt  }
0x82: {  	_ =	shalt  }
0x83: {  	_ =	shalt  }
0x84: {  	_ =	shalt  }
0x85: {  	_ =	shalt  }
0x86: {  	_ =	shalt  }
0x87: {  	_ =	shalt  }
.Lfunc_end0:
.L_simem_size_0:
called_computation_lowered:
.L_overlay_start_0:
0x88: {  	s2 =	sld [smem:$0x3FD9]  }
0x89: {  	s3 =	sld [smem:$0x3FFE];
	_ =	sdelay $0x1  }
0x8a: {  	s1 =	srdreg.scid  }
0x8b: {  	s0 =	sand.u32 $0x1, s1  }
0x8c: {  	s16 =	sshll.u32 s0, $0xA;
	s2 =	sadd.s32 s3, s2  }
0x8d: {  	s2 =	sadd.s32 s2, s16  }
0x8e: {  	[smem:$0x3FC5] =	sst s2  }
0x8f: {  	_ = 	snop  }
0x90: {  	(tm) =	ssettm $0x1  }
0x91: {  	s17 =	sld [smem:$0x3FFB];
	_ =	sdelay $0x3  }
0x92: {  	_ =	strace s17  }
0x93: {  	s2 =	sld [smem:$0x3FFC];
	_ =	sdelay $0x3  }
0x94: {  	_ =	strace s2  }
0x95: {  	s2 =	sld [smem:$0x3FFD];
	_ =	sdelay $0x3  }
0x96: {  	_ =	strace s2  }
0x97: {  	_ =	strace $0x8FFFFFFF  }
0x98: {  	s18 =	sld [smem:$0x3FDB];
	_ =	sdelay $0x1  }
0x99: {  	s19 =	simm.s32 $_scs_section_size  }
0x9a: {  	s4 =	simm.s32 $_size__tile_overlayer_lowered;
	s5 =	simm.s32 $_tile_overlayer_lowered  }
0x9b: {  	s22 =	simm.s32 $0x1BFF;
	s21 =	sshll.u32 s5, $0x1;
	s2 =	sadd.s32 s19, s18  }
0x9c: {  	s6 =	simm.s32 $0x0;
	s20 =	sshll.u32 s4, $0x1;
	s4 =	sadd.s32 s21, s2  }
0x9d: {  	[timem:s6], [sflag:s22] =	dma.local [hbm:s4], s20  }
0x9e: {  	_ =	swait.ge [sflag:s22], s20  }
0x9f: {  	s3 =	ssub.s32 $0x0, s20;
	[sflag:s22] =	ssyncset.done $0x0  }
0xa0: {  	[sflag:s22] =	ssyncadd.s32 s3;
	_ =	sdelay $0x1  }
0xa1: {  	s23 =	simm.s32 $0x1B8B  }
0xa2: {  	_ =	swait.ge [sflag:s23], $0x1  }
0xa3: {  	[sflag:s23] =	ssyncset.done $0x0  }
0xa4: {  	s25 =	simm.s32 $0x1B8E;
	s24 =	sld [smem:$0x3FFE];
	[sflag:s23] =	ssyncadd.s32 $0xFFFFFFFF  }
0xa5: {  	s26 =	simm.s32 $execute0_lowered;
	[smem:$0x3FD2] =	sst s25  }
0xa6: {  	s4 =	sshll.u32 s26, $0x1;
	_ =	strace $0x80000046;
	[dreg:$0x1] =	wrdreg $0xFFFFFFFF  }
0xa7: {  	s28 =	simm.s32 $_size_execute0_lowered;
	s2 =	sadd.s32 s2, s4;
	[dreg:$0x0] =	wrdreg $0x0  }
0xa8: {  	s4 =	sshll.u32 s28, $0x1;
	[dreg:$0x2] =	wrdreg s2  }
0xa9: {  	[dreg:$0x3] =	wrdreg s4  }
0xaa: {  	[dreg:$0x4] =	wrdreg $0xC0  }
0xab: {  	_ =	task [dreg:s6], $0x5FFFF  }
0xac: {  	[dreg:$0x1] =	wrdreg $0xFFFFFFFF  }
0xad: {  	[dreg:$0x0] =	wrdreg $0x60  }
0xae: {  	[dreg:$0x2] =	wrdreg s24  }
0xaf: {  	[dreg:$0x3] =	wrdreg $0x106000  }
0xb0: {  	[dreg:$0x4] =	wrdreg $0x9  }
0xb1: {  	_ =	task.clear_ibuf [dreg:s6], $0x5FFFF;
	_ =	strace $0x90000046  }
0xb2: {  	s29 =	simm.s32 $0x9;
	_ =	strace $0x80000048  }
0xb3: {  	_ =	swait.ge [sflag:s29], $0x1  }
0xb4: {  	[sflag:s29] =	ssyncadd.s32 $0xFFFFFFFF  }
0xb5: {  	_ =	strace $0x90000048  }
0xb6: {  	_ =	sfence  }
0xb7: {  	s30 =	sld [smem:$0x0];
	_ =	sdelay $0x2  }
0xb8: {  	s31 =	sshll.u32 s1, $0xD;
	s1 =	sshrl.u32 s1, $0x2  }
0xb9: {  	s3 =	sand.u32 $0x4000, s31;
	s1 =	sadd.s32 s1, s30  }
0xba: {  	s0 =	sor.u32 s3, s0;
	s1 =	sshll.u32 s1, $0x11  }
0xbb: {  	s0 =	sor.u32 s1, s0  }
0xbc: {  	s0 =	sadd.s32 $0x8F2B, s0  }
0xbd: {  	[sflag:s0] =	ssyncadd.remote.s32 $0x1  }
0xbe: {  	_ =	sfence.sel $0xFFFF  }
0xbf: {  	[dreg:$0x0] =	wrdreg $0xFFFFFFFF;
	(pc) =	sbr.abs _section_cstart, $3  }
0xc0: {  	[dreg:$0x1] =	wrdreg $0xFFFFFFFF  }
0xc1: {  	_ =	task.clear_ibuf [dreg:s6], $0x2FFFF;
	_ =	strace $0x9FFFFFFF  }
0xc2: {  	(tm) =	ssettm $0x7FFFFFFF  }
0xc3: {  	_ =	shalt  }
tec
execute0_lowered:
.L_overlay_start_1:
0x0: {  	(tag) =	ssettag $0x1  }
0x1: {  	s1 =	srdreg.scid;
	s7 =	rddreg [dreg:$0x0]  }
0x2: {  	s0 =	stileid.u32;
	s2 =	rddreg [dreg:$0x1]  }
0x3: {  	s3 =	simm.s32 $0x0;
	s4 =	sand.u32 $0x1, s1;
	s19 =	sshll.u32 s0, $0x1  }
0x4: {  	[smem:$0x7FF] =	sst s3;
	s5 =	sor.u32 s4, s19;
	s20 =	ssub.s32 $0x2, s4  }
0x5: {  	s4 =	sadd.s32 $0xE00, s7;
	s6 =	sshll.u32 s5, $0x9;
	s1 =	sshll.u32 s5, $0x7  }
0x6: {  	s5 =	sshll.u32 s5, $0xD;
	s10 =	sshrl.u32 s20, $0x1;
	s8 =	sand.u32 $0x3000, s6  }
0x7: {  	s9 =	sand.u32 $0x380, s1;
	s1 =	rddreg [dreg:$0x2];
	_ =	strace $0x80000047  }
0x8: {  	s21 =	sor.u32 $0x10, s6;
	s22 =	sor.u32 $0x20, s6;
	s11 =	sor.u32 $0x30, s6  }
0x9: {  	s12 =	sor.u32 $0x40, s6;
	s13 =	sor.u32 $0x50, s6;
	s14 =	sor.u32 $0x60, s6  }
0xa: {  	s23 =	sor.u32 $0x70, s6;
	s24 =	sor.u32 $0x80, s6;
	s15 =	sor.u32 $0x90, s6  }
0xb: {  	v31 =	vlaneseq.u32;
	s25 =	sor.u32 $0xA0, s6;
	s26 =	sor.u32 $0xB0, s6;
	s28 =	sor.u32 $0xC0, s6  }
0xc: {  	s29 =	sor.u32 $0xD0, s6;
	s30 =	sor.u32 $0xE0, s6;
	s31 =	sor.u32 $0xF0, s6;
	v25 =	vor.u32 s6, v31;
	v0 =	vor.u32 s21, v31  }
0xd: {  	s16 =	sor.u32 $0x110, s6;
	s17 =	sor.u32 $0x120, s6;
	s18 =	sor.u32 $0x130, s6;
	v1 =	vor.u32 s22, v31;
	v2 =	vor.u32 s11, v31;
	v3 =	vor.u32 s12, v31  }
0xe: {  	s19 =	sor.u32 $0x140, s6;
	s8 =	sor.u32 s9, s8;
	s9 =	ssub.s32 s20, s10;
	v4 =	vor.u32 s13, v31;
	v5 =	vor.u32 s14, v31;
	v6 =	vor.u32 s23, v31  }
0xf: {  	v7 =	vor.u32 s24, v31;
	v8 =	vor.u32 s15, v31;
	v9 =	vor.u32 s25, v31;
	s15 =	sor.u32 $0x100, s6;
	s20 =	sor.u32 $0x150, s6;
	s21 =	sor.u32 $0x160, s6  }
0x10: {  	v10 =	vor.u32 s26, v31;
	v11 =	vor.u32 s28, v31;
	v12 =	vor.u32 s29, v31;
	s22 =	sor.u32 $0x170, s6;
	s23 =	sor.u32 $0x180, s6;
	s24 =	sor.u32 $0x190, s6  }
0x11: {  	v13 =	vor.u32 s30, v31;
	v14 =	vor.u32 s31, v31;
	v16 =	vor.u32 s16, v31;
	s25 =	sor.u32 $0x1A0, s6;
	s26 =	sor.u32 $0x1B0, s6;
	s28 =	sor.u32 $0x1C0, s6  }
0x12: {  	v17 =	vor.u32 s17, v31;
	v18 =	vor.u32 s18, v31;
	v19 =	vor.u32 s19, v31;
	s29 =	sor.u32 $0x1D0, s6;
	s30 =	sor.u32 $0x1E0, s6;
	s31 =	sor.u32 $0x1F0, s6  }
0x13: {  	s10 =	simm.s32 $0x2;
	s11 =	simm.s32 $0x200;
	s8 =	sshrl.u32 s8, $0x3;
	v15 =	vor.u32 s15, v31;
	v20 =	vor.u32 s20, v31;
	v21 =	vor.u32 s21, v31  }
0x14: {  	s12 =	simm.s32 $0x1;
	v22 =	vor.u32 s22, v31;
	v23 =	vor.u32 s23, v31;
	v24 =	vor.u32 s24, v31;
	s8 =	sadd.s32 s8, s7;
	s7 =	sadd.s32 s5, s7  }
0x15: {  	s13 =	simm.s32 $0x600;
	v26 =	vor.u32 s25, v31;
	v27 =	vor.u32 s26, v31;
	v28 =	vor.u32 s28, v31;
	s5 =	sadd.s32 $0x40E00, s8;
	s6 =	sadd.s32 $0x41800, s7  }
0x16: {  	v29 =	vor.u32 s29, v31;
	v30 =	vor.u32 s30, v31;
	v31 =	vor.u32 s31, v31;
	s7 =	smax.u32 s9, $0x1;
	s8 =	simm.s32 $0x80;
	s9 =	simm.s32 $0x400  }
.LBB2_1:
0x17: {  	[tilespmem:s3], [sflag:$0x2] =	stream.strided.gather [hbm4b:s5+s8], $0x200, s9, s8, $0x38;
	[tilespmem:$0x1FA28] =	vst v63  }
0x18: {  	_ =	swait.ge [sflag:s10], $0x200  }
0x19: {  	[sflag:s10] =	ssyncset.done $0x0  }
0x1a: {  	[sflag:s10] =	ssyncadd.s32 $0xFFFFFE00  }
0x1b: {  	[tilespmem:$0x200] =	vst v25  }
0x1c: {  	[tilespmem:$0x210] =	vst v0  }
0x1d: {  	[tilespmem:$0x220] =	vst v1  }
0x1e: {  	[tilespmem:$0x230] =	vst v2  }
0x1f: {  	[tilespmem:$0x240] =	vst v3  }
0x20: {  	[tilespmem:$0x250] =	vst v4  }
0x21: {  	[tilespmem:$0x260] =	vst v5  }
0x22: {  	[tilespmem:$0x270] =	vst v6  }
0x23: {  	[tilespmem:$0x280] =	vst v7  }
0x24: {  	[tilespmem:$0x290] =	vst v8  }
0x25: {  	[tilespmem:$0x2A0] =	vst v9  }
0x26: {  	[tilespmem:$0x2B0] =	vst v10  }
0x27: {  	[tilespmem:$0x2C0] =	vst v11  }
0x28: {  	[tilespmem:$0x2D0] =	vst v12  }
0x29: {  	[tilespmem:$0x2E0] =	vst v13  }
0x2a: {  	[tilespmem:$0x2F0] =	vst v14  }
0x2b: {  	[tilespmem:$0x300] =	vst v15  }
0x2c: {  	[tilespmem:$0x310] =	vst v16  }
0x2d: {  	[tilespmem:$0x320] =	vst v17  }
0x2e: {  	[tilespmem:$0x330] =	vst v18  }
0x2f: {  	[tilespmem:$0x340] =	vst v19  }
0x30: {  	[tilespmem:$0x350] =	vst v20  }
0x31: {  	[tilespmem:$0x360] =	vst v21  }
0x32: {  	[tilespmem:$0x370] =	vst v22  }
0x33: {  	[tilespmem:$0x380] =	vst v23  }
0x34: {  	[tilespmem:$0x390] =	vst v24  }
0x35: {  	[tilespmem:$0x3A0] =	vst v26  }
0x36: {  	[tilespmem:$0x3B0] =	vst v27  }
0x37: {  	[tilespmem:$0x3C0] =	vst v28  }
0x38: {  	[tilespmem:$0x3D0] =	vst v29  }
0x39: {  	[tilespmem:$0x3E0] =	vst v30  }
0x3a: {  	[tilespmem:$0x3F0] =	vst v31  }
0x3b: {  	[spmem:s2] =	stream.indirect.scatter [tilespmem:s11], [sflag:$0x1], $0x1, s3, s11, $0xb8;
	[tilespmem:$0x1FA28] =	vst v63  }
0x3c: {  	_ =	swait.ge [sflag:s12], $0x200  }
0x3d: {  	[sflag:s12] =	ssyncset.done $0x0  }
0x3e: {  	[sflag:s12] =	ssyncadd.s32 $0xFFFFFE00  }
0x3f: {  	[bflag:$0x0] =	sbarrier.arrive $0xFFFF  }
0x40: {  	[tilespmem:s9], [sflag:$0x1] =	stream.indirect.gather [spmem:s2], $0x1, s3, s11, $0xb8;
	[tilespmem:$0x1FA28] =	vst v63  }
0x41: {  	_ =	swait.ge [sflag:s12], $0x200  }
0x42: {  	[sflag:s12] =	ssyncset.done $0x0  }
0x43: {  	[sflag:s12] =	ssyncadd.s32 $0xFFFFFE00  }
0x44: {  	v32 =	vld [tilespmem:$0x400]  }
0x45: {  	v33 =	vld [tilespmem:$0x410]  }
0x46: {  	v34 =	vld [tilespmem:$0x420]  }
0x47: {  	v35 =	vld [tilespmem:$0x430]  }
0x48: {  	v36 =	vld [tilespmem:$0x440]  }
0x49: {  	v37 =	vld [tilespmem:$0x450];
	vm0 =	vgt.s32 v32, $0x0  }
0x4a: {  	v38 =	vld [tilespmem:$0x460];
	vm9 =	vgt.s32 v33, $0x0;
	v32 =	vnsel vm0, $0x0, v32  }
0x4b: {  	v39 =	vld [tilespmem:$0x470];
	vm10 =	vgt.s32 v34, $0x0;
	v33 =	vnsel vm9, $0x0, v33;
	v32 =	vmin.u32 v32, $0x3FFF  }
0x4c: {  	v54 =	vld [tilespmem:$0x480];
	vm11 =	vgt.s32 v35, $0x0;
	v53 =	vnsel vm10, $0x0, v34;
	v52 =	vmin.u32 v33, $0x3FFF;
	[tilespmem:$0x400] =	vst v32  }
0x4d: {  	v57 =	vld [tilespmem:$0x490];
	vm12 =	vgt.s32 v36, $0x0;
	v56 =	vnsel vm11, $0x0, v35;
	v55 =	vmin.u32 v53, $0x3FFF;
	[tilespmem:$0x410] =	vst v52  }
0x4e: {  	v60 =	vld [tilespmem:$0x4A0];
	vm13 =	vgt.s32 v37, $0x0;
	v59 =	vnsel vm12, $0x0, v36;
	v58 =	vmin.u32 v56, $0x3FFF;
	[tilespmem:$0x420] =	vst v55  }
0x4f: {  	v63 =	vld [tilespmem:$0x4B0];
	vm14 =	vgt.s32 v38, $0x0;
	v62 =	vnsel vm13, $0x0, v37;
	v61 =	vmin.u32 v59, $0x3FFF;
	[tilespmem:$0x430] =	vst v58  }
0x50: {  	v42 =	vld [tilespmem:$0x4C0];
	vm15 =	vgt.s32 v39, $0x0;
	v41 =	vnsel vm14, $0x0, v38;
	v40 =	vmin.u32 v62, $0x3FFF;
	[tilespmem:$0x440] =	vst v61  }
0x51: {  	v45 =	vld [tilespmem:$0x4D0];
	vm4 =	vgt.s32 v54, $0x0;
	v44 =	vnsel vm15, $0x0, v39;
	v43 =	vmin.u32 v41, $0x3FFF;
	[tilespmem:$0x450] =	vst v40  }
0x52: {  	v48 =	vld [tilespmem:$0x4E0];
	vm5 =	vgt.s32 v57, $0x0;
	v47 =	vnsel vm4, $0x0, v54;
	v46 =	vmin.u32 v44, $0x3FFF;
	[tilespmem:$0x460] =	vst v43  }
0x53: {  	v51 =	vld [tilespmem:$0x4F0];
	vm6 =	vgt.s32 v60, $0x0;
	v50 =	vnsel vm5, $0x0, v57;
	v49 =	vmin.u32 v47, $0x3FFF;
	[tilespmem:$0x470] =	vst v46  }
0x54: {  	vm7 =	vgt.s32 v63, $0x0;
	v54 =	vld [tilespmem:$0x500];
	v53 =	vnsel vm6, $0x0, v60;
	[tilespmem:$0x480] =	vst v49;
	v52 =	vmin.u32 v50, $0x3FFF  }
0x55: {  	vm8 =	vgt.s32 v42, $0x0;
	v57 =	vld [tilespmem:$0x510];
	v56 =	vnsel vm7, $0x0, v63;
	v55 =	vmin.u32 v53, $0x3FFF;
	[tilespmem:$0x490] =	vst v52  }
0x56: {  	vm9 =	vgt.s32 v45, $0x0;
	v59 =	vnsel vm8, $0x0, v42;
	v60 =	vld [tilespmem:$0x520];
	v58 =	vmin.u32 v56, $0x3FFF;
	[tilespmem:$0x4A0] =	vst v55  }
0x57: {  	vm10 =	vgt.s32 v48, $0x0;
	v62 =	vnsel vm9, $0x0, v45;
	v63 =	vld [tilespmem:$0x530];
	v61 =	vmin.u32 v59, $0x3FFF;
	[tilespmem:$0x4B0] =	vst v58  }
0x58: {  	vm11 =	vgt.s32 v51, $0x0;
	v41 =	vnsel vm10, $0x0, v48;
	v42 =	vld [tilespmem:$0x540];
	v40 =	vmin.u32 v62, $0x3FFF;
	[tilespmem:$0x4C0] =	vst v61  }
0x59: {  	v44 =	vnsel vm11, $0x0, v51;
	v45 =	vld [tilespmem:$0x550];
	v43 =	vmin.u32 v41, $0x3FFF;
	[tilespmem:$0x4D0] =	vst v40;
	vm12 =	vgt.s32 v54, $0x0  }
0x5a: {  	v48 =	vld [tilespmem:$0x560];
	v46 =	vmin.u32 v44, $0x3FFF;
	[tilespmem:$0x4E0] =	vst v43;
	vm13 =	vgt.s32 v57, $0x0;
	v47 =	vnsel vm12, $0x0, v54  }
0x5b: {  	v51 =	vld [tilespmem:$0x570];
	[tilespmem:$0x4F0] =	vst v46;
	v50 =	vnsel vm13, $0x0, v57;
	vm14 =	vgt.s32 v60, $0x0;
	v49 =	vmin.u32 v47, $0x3FFF  }
0x5c: {  	v43 =	vld [tilespmem:$0x5C0];
	vm15 =	vgt.s32 v63, $0x0;
	v52 =	vmin.u32 v50, $0x3FFF;
	v53 =	vnsel vm14, $0x0, v60;
	[tilespmem:$0x500] =	vst v49  }
0x5d: {  	v54 =	vld [tilespmem:$0x580];
	vm4 =	vgt.s32 v42, $0x0;
	v56 =	vnsel vm15, $0x0, v63;
	[tilespmem:$0x510] =	vst v52;
	v55 =	vmin.u32 v53, $0x3FFF  }
0x5e: {  	v57 =	vld [tilespmem:$0x590];
	vm5 =	vgt.s32 v45, $0x0;
	v59 =	vnsel vm4, $0x0, v42;
	v58 =	vmin.u32 v56, $0x3FFF;
	[tilespmem:$0x520] =	vst v55  }
0x5f: {  	vm6 =	vgt.s32 v48, $0x0;
	v60 =	vld [tilespmem:$0x5A0];
	v62 =	vnsel vm5, $0x0, v45;
	v61 =	vmin.u32 v59, $0x3FFF;
	[tilespmem:$0x530] =	vst v58  }
0x60: {  	vm7 =	vgt.s32 v51, $0x0;
	v63 =	vld [tilespmem:$0x5B0];
	v42 =	vnsel vm6, $0x0, v48;
	v41 =	vmin.u32 v62, $0x3FFF;
	[tilespmem:$0x540] =	vst v61  }
0x61: {  	v46 =	vld [tilespmem:$0x5D0];
	v45 =	vnsel vm7, $0x0, v51;
	v44 =	vmin.u32 v42, $0x3FFF;
	vm12 =	vgt.s32 v43, $0x0;
	[tilespmem:$0x550] =	vst v41  }
0x62: {  	v47 =	vmin.u32 v45, $0x3FFF;
	v49 =	vld [tilespmem:$0x5E0];
	[tilespmem:$0x560] =	vst v44;
	v58 =	vnsel vm12, $0x0, v43;
	vm8 =	vgt.s32 v54, $0x0  }
0x63: {  	v52 =	vld [tilespmem:$0x5F0];
	[tilespmem:$0x570] =	vst v47;
	v59 =	vmin.u32 v58, $0x3FFF;
	vm9 =	vgt.s32 v57, $0x0;
	v48 =	vnsel vm8, $0x0, v54  }
0x64: {  	[tilespmem:$0x5C0] =	vst v59;
	v51 =	vnsel vm9, $0x0, v57;
	vm10 =	vgt.s32 v60, $0x0;
	v50 =	vmin.u32 v48, $0x3FFF  }
0x65: {  	vm11 =	vgt.s32 v63, $0x0;
	v53 =	vmin.u32 v51, $0x3FFF;
	v54 =	vnsel vm10, $0x0, v60;
	[tilespmem:$0x580] =	vst v50  }
0x66: {  	vm13 =	vgt.s32 v46, $0x0;
	v56 =	vnsel vm11, $0x0, v63;
	[tilespmem:$0x590] =	vst v53;
	v55 =	vmin.u32 v54, $0x3FFF  }
0x67: {  	v60 =	vnsel vm13, $0x0, v46;
	vm14 =	vgt.s32 v49, $0x0;
	v57 =	vmin.u32 v56, $0x3FFF;
	[tilespmem:$0x5A0] =	vst v55  }
0x68: {  	vm15 =	vgt.s32 v52, $0x0;
	v61 =	vmin.u32 v60, $0x3FFF;
	v62 =	vnsel vm14, $0x0, v49;
	[tilespmem:$0x5B0] =	vst v57  }
0x69: {  	v63 =	vnsel vm15, $0x0, v52;
	[tilespmem:$0x5D0] =	vst v61;
	v33 =	vmin.u32 v62, $0x3FFF  }
0x6a: {  	v32 =	vmin.u32 v63, $0x3FFF;
	[tilespmem:$0x5E0] =	vst v33  }
0x6b: {  	[tilespmem:$0x5F0] =	vst v32  }
0x6c: {  	[tilespmem:s13], [sflag:$0x1] =	stream.indirect.gather [hbm4b:s4+s11], $0x80, s9, s11, $0xb8;
	[tilespmem:$0x1FA28] =	vst v63  }
0x6d: {  	_ =	swait.ge [sflag:s12], $0x10000  }
0x6e: {  	p0 =	sne.s32 s7, $0x1;
	[sflag:s12] =	ssyncset.done $0x0  }
.Ltmp0:
0x6f: {  	[sflag:s12] =	ssyncadd.s32 $0xFFFF0000;
	(pc) =	sbr.rel @p0 .LBB2_1-.Ltmp0, $4  }
0x70: {  	[hbm4b:s6+s3] =	stream.linear.scatter [tilespmem:s13], [sflag:$0x1], $0x10000, $0x38;
	[tilespmem:$0x1FA28] =	vst v63  }
0x71: {  	_ =	swait.ge [sflag:s12], $0x10000  }
0x72: {  	[sflag:s12] =	ssyncset.done $0x0  }
0x73: {  	s7 =	sadd.s32 $0xFFFFFFFF, s7;
	[sflag:s12] =	ssyncadd.s32 $0xFFFF0000  }
0x74: {  	_ =	sfence.sel $0x180000  }
0x75: {  	[bflag:$0x0] =	sbarrier.arrive $0xFFFF  }
0x76: {  	p0 =	sne.s32 s0, $0x0;
	_ =	strace $0x90000047  }
0x77: {  	s0 =	sadd.s32 @!p0 $0x100000, s1;
	[bflag:$0x2] =	sbarrier.arrive $0xFFFF  }
0x78: {  	[sflag:s0] =	ssyncadd.tile.s32 @!p0 $0x1;
	_ =	shalt  }
.Lfunc_end2:
_tile_overlayer_lowered:
.L_overlay_start_2:
0x79: {  	(tag) =	ssettag $0x2  }
0x7a: {  	s0 =	rddreg [dreg:$0x0];
	s2 =	stileid.u32  }
0x7b: {  	s1 =	rddreg [dreg:$0x1];
	p0 =	sne.s32 s2, $0x0  }
0x7c: {  	s3 =	rddreg [dreg:$0x2];
	[bflag:$0x3] =	sbarrier.arrive $0xFFFF;
	s2 =	simm.s32 @!p0 $0x1C02  }
0x7d: {  	[timem:s3], [sflag:s2] =	dma.local @!p0 [hbm:s0], s1  }
0x7e: {  	s0 =	simm.s32 @!p0 $0x2  }
0x7f: {  	_ =	swait.ge @!p0 [sflag:s0], s1  }
0x80: {  	s1 =	ssub.s32 @!p0 $0x0, s1;
	[sflag:s0] =	ssyncset.done @!p0 $0x0  }
0x81: {  	[sflag:s0] =	ssyncadd.s32 @!p0 s1  }
0x82: {  	[bflag:$0x3] =	sbarrier.arrive $0xFFFF  }
0x83: {  	_ =	shalt  }

</sc_bundles>
